<compile_context>
chip_gen: v7x
topology: tpu7x:2x2x1
jax: 0.10.2.dev20260603
libtpu: 0.0.44.dev20260713+nightly
codegen_flags: <defaults>
</compile_context>

<pallas_src>
import functools

import jax
import jax.numpy as jnp
from jax import lax
from jax.experimental import pallas as pl
from jax.experimental.pallas import tpu as pltpu
from jax.experimental.pallas import tpu_sc as plsc

N = 320000
D = 128
M = 128
S = 10000

NB = N // 128
NW = 32
MAXC = 80
NBP = NW * MAXC
DRAIN = 632
NBUF = 3
IDXC = 8


def _sc_segment_sum(x3, ids2, zeros):
    mesh = plsc.VectorSubcoreMesh(core_axis_name="c", subcore_axis_name="s")

    @functools.partial(
        pl.kernel,
        mesh=mesh,
        out_type=(
            jax.ShapeDtypeStruct((S, D), jnp.float32),
            jax.ShapeDtypeStruct((S, D), jnp.float32),
        ),
        scratch_types=[
            pltpu.VMEM_SHARED((S, D), jnp.float32),
            pltpu.VMEM((IDXC, 128), jnp.int32),
        ]
        + [pltpu.VMEM((128, D), jnp.float32) for _ in range(NBUF)]
        + [pltpu.SemaphoreType.DMA for _ in range(NBUF)],
    )
    def segsum(x_hbm, ids_hbm, z_hbm, out0_hbm, out1_hbm, acc, idx_v, *bufs_sems):
        bufs = bufs_sems[:NBUF]
        sems = bufs_sems[NBUF:]
        cid = lax.axis_index("c")
        sid = lax.axis_index("s")
        wid = sid * 2 + cid

        pltpu.sync_copy(z_hbm, bufs[0])
        zbase = sid * 625
        for k in range(4):
            pltpu.sync_copy(bufs[0], acc.at[pl.ds(zbase + k * 128, 128)])
        pltpu.sync_copy(bufs[0].at[pl.ds(0, 113)], acc.at[pl.ds(zbase + 512, 113)])
        plsc.subcore_barrier()

        c0 = wid * MAXC
        cnt = jnp.clip(NB - c0, 0, MAXC)

        def chunk_body(h, carry):
            base = h * IDXC
            cnt_h = jnp.clip(cnt - base, 0, IDXC)

            @pl.when(cnt_h > 0)
            def _():
                pltpu.sync_copy(ids_hbm.at[pl.ds(c0 + base, IDXC)], idx_v)
                for j in range(NBUF):
                    pltpu.async_copy(x_hbm.at[c0 + base + j], bufs[j], sems[j])

                def body(i, carry2):
                    def step(j):
                        def go():
                            pltpu.make_async_copy(x_hbm.at[0], bufs[j], sems[j]).wait()
                            pltpu.sync_copy(bufs[j], acc.at[idx_v.at[i]], add=True)

                            @pl.when(i + NBUF < cnt_h)
                            def _():
                                pltpu.async_copy(
                                    x_hbm.at[c0 + base + i + NBUF], bufs[j], sems[j]
                                )

                        return go

                    jmod = lax.rem(i, NBUF)
                    for j in range(NBUF):
                        pl.when(jmod == j)(step(j))
                    return carry2

                lax.fori_loop(0, cnt_h, body, 0)

            return carry

        lax.fori_loop(0, MAXC // IDXC, chunk_body, 0)
        plsc.subcore_barrier()

        dbase = sid * DRAIN

        def drain_to(out_hbm):
            for k in range(4):
                pltpu.sync_copy(
                    acc.at[pl.ds(dbase + k * 128, 128)],
                    out_hbm.at[pl.ds(dbase + k * 128, 128)],
                )

            @pl.when(sid < 15)
            def _():
                pltpu.sync_copy(
                    acc.at[pl.ds(dbase + 512, 120)],
                    out_hbm.at[pl.ds(dbase + 512, 120)],
                )

            @pl.when(sid == 15)
            def _():
                pltpu.sync_copy(
                    acc.at[pl.ds(dbase + 512, 8)],
                    out_hbm.at[pl.ds(dbase + 512, 8)],
                )

        pl.when(cid == 0)(lambda: drain_to(out0_hbm))
        pl.when(cid == 1)(lambda: drain_to(out1_hbm))

    return segsum(x3, ids2, zeros)


def _tc_matmul(p0, p1, w):
    BS = 2000

    def mm(p0_ref, p1_ref, w_ref, o_ref):
        p = p0_ref[...] + p1_ref[...]
        o_ref[...] = lax.dot_general(
            p, w_ref[...], (((1,), (1,)), ((), ())),
            preferred_element_type=jnp.float32,
        )

    return pl.pallas_call(
        mm,
        grid=(S // BS,),
        in_specs=[
            pl.BlockSpec((BS, D), lambda i: (i, 0)),
            pl.BlockSpec((BS, D), lambda i: (i, 0)),
            pl.BlockSpec((M, D), lambda i: (0, 0)),
        ],
        out_specs=pl.BlockSpec((BS, M), lambda i: (i, 0)),
        out_shape=jax.ShapeDtypeStruct((S, M), jnp.float32),
    )(p0, p1, w)


def kernel(tensor1_values, tensor1_segment_ids, tensor2_values):
    x3 = tensor1_values.reshape(NB, 128, D)
    ids2 = tensor1_segment_ids.astype(jnp.int32).reshape(NB, 128)
    ids2 = jnp.concatenate([ids2, jnp.zeros((NBP - NB, 128), jnp.int32)])
    zeros = jnp.zeros((128, D), jnp.float32)
    p0, p1 = _sc_segment_sum(x3, ids2, zeros)
    return _tc_matmul(p0, p1, tensor2_values)

# --- scband reference (transcript-rebuilt; emitter-appended) ---
"""Pipeline reference for scband-torch-aggregate-kernel-27530740367748 (READ-ONLY COPY).

The authoritative reference and input builder live on the scoring server;
editing this copy changes nothing except your own understanding.
"""

import jax, jax.numpy as jnp
import numpy as np

N = 320000      # total atomic-environment samples in tensor1
D = 128         # feature dimension
M = 128         # pseudo (sparse) points in tensor2
S = 10000       # number of structures (segments) to sum over samples


def setup_inputs(seed: int = 0) -> dict:
    key = jax.random.key(seed)
    k1, k2, k3 = jax.random.split(key, 3)
    tensor1_values = jax.random.normal(k1, (N, D), dtype=jnp.float32)
    tensor1_segment_ids = jnp.sort(jax.random.randint(k2, (N,), 0, S))
    tensor2_values = jax.random.normal(k3, (M, D), dtype=jnp.float32)
    return {
        "tensor1_values": tensor1_values,
        "tensor1_segment_ids": tensor1_segment_ids,
        "tensor2_values": tensor2_values,
    }


def reference(tensor1_values, tensor1_segment_ids, tensor2_values):
    # compute_kernel: linear kernel between per-atom features of tensor1 and
    # pseudo-point features of tensor2 (are_pseudo_points = (False, True)).
    kernel = tensor1_values @ tensor2_values.T  # [N, M]
    # aggregate_kernel: metatensor sum_over_samples over aggregate_names
    # (sum per-atom kernel rows into per-structure rows) == segment_sum.
    aggregated = jax.ops.segment_sum(kernel, tensor1_segment_ids, num_segments=S)  # [S, M]
    return aggregated

if __name__ == "__main__":
    import jax
    _d = setup_inputs()
    print(jax.jit(kernel)(*tuple(_d.values())))

</pallas_src>

<mosaic_0001>
#map = affine_map<(d0, d1) -> (0, 0, 0)>
#map1 = affine_map<(d0, d1) -> (0, 0)>
module attributes {stable_mosaic.version = 14 : i64} {
  func.func @segsum(%arg0: i32, %arg1: i32, %arg2: memref<2500x128x128xf32, #tpu.memory_space<hbm>>, %arg3: memref<2560x128xi32, #tpu.memory_space<hbm>>, %arg4: memref<128x128xf32, #tpu.memory_space<hbm>>, %arg5: memref<10000x128xf32, #tpu.memory_space<hbm>>, %arg6: memref<10000x128xf32, #tpu.memory_space<hbm>>, %arg7: memref<10000x128xf32, #tpu.memory_space<vmem_shared>>, %arg8: memref<8x128xi32, #tpu.memory_space<vmem>>, %arg9: memref<128x128xf32, #tpu.memory_space<vmem>>, %arg10: memref<128x128xf32, #tpu.memory_space<vmem>>, %arg11: memref<128x128xf32, #tpu.memory_space<vmem>>, %arg12: memref<!tpu.dma_semaphore, #tpu.memory_space<semaphore_mem>>, %arg13: memref<!tpu.dma_semaphore, #tpu.memory_space<semaphore_mem>>, %arg14: memref<!tpu.dma_semaphore, #tpu.memory_space<semaphore_mem>>) attributes {dimension_semantics = [#tpu.dimension_semantics<core_parallel>, #tpu.dimension_semantics<subcore_parallel>], iteration_bounds = array<i64: 2, 16>, scalar_prefetch = 0 : i64, scratch_operands = 8 : i64, tpu.core_type = #tpu.core_type<sc_vector_subcore>, window_params = [{transform_indices = #map}, {transform_indices = #map1}, {transform_indices = #map1}, {transform_indices = #map1}, {transform_indices = #map1}]} {
    %mul3A = arith.constant 2 : i32
    %mul3A_0 = arith.muli %arg1, %mul3A : i32
    %add3A = arith.addi %mul3A_0, %arg0 : i32
    "tpu.region"() ({
      %run_scoped3A = tpu.sem_alloc : memref<!tpu.dma_semaphore, #tpu.memory_space<semaphore_mem>>
      tpu.enqueue_dma source(%arg4 : memref<128x128xf32, #tpu.memory_space<hbm>>) target(%arg9 : memref<128x128xf32, #tpu.memory_space<vmem>>) target_semaphore(%run_scoped3A : memref<!tpu.dma_semaphore, #tpu.memory_space<semaphore_mem>>)
      tpu.wait_dma2 semaphore(%run_scoped3A : memref<!tpu.dma_semaphore, #tpu.memory_space<semaphore_mem>>) src(%arg4 : memref<128x128xf32, #tpu.memory_space<hbm>>) dst(%arg9 : memref<128x128xf32, #tpu.memory_space<vmem>>)
      tpu.yield
    }) : () -> ()
    %mul3A_1 = arith.constant 625 : i32
    %mul3A_2 = arith.muli %arg1, %mul3A_1 : i32
    %add3A_3 = arith.constant 0 : i32
    %add3A_4 = arith.addi %mul3A_2, %add3A_3 : i32
    "tpu.region"() ({
      %run_scoped3A = tpu.sem_alloc : memref<!tpu.dma_semaphore, #tpu.memory_space<semaphore_mem>>
      %dma_start3A = arith.constant 0 : i32
      %dma_start3A_32 = tpu.memref_slice %arg7[%add3A_4, %dma_start3A] : memref<10000x128xf32, #tpu.memory_space<vmem_shared>> -> memref<128x128xf32, #tpu.memory_space<vmem_shared>>
      %dma_start3A_33 = arith.constant 0 : i32
      %dma_start3A_34 = tpu.memref_slice %arg7[%add3A_4, %dma_start3A_33] : memref<10000x128xf32, #tpu.memory_space<vmem_shared>> -> memref<128x128xf32, #tpu.memory_space<vmem_shared>>
      tpu.enqueue_dma source(%arg9 : memref<128x128xf32, #tpu.memory_space<vmem>>) target(%dma_start3A_34 : memref<128x128xf32, #tpu.memory_space<vmem_shared>>) target_semaphore(%run_scoped3A : memref<!tpu.dma_semaphore, #tpu.memory_space<semaphore_mem>>)
      %dma_wait3A = arith.constant 0 : i32
      %dma_wait3A_35 = tpu.memref_slice %arg7[%add3A_4, %dma_wait3A] : memref<10000x128xf32, #tpu.memory_space<vmem_shared>> -> memref<128x128xf32, #tpu.memory_space<vmem_shared>>
      %dma_wait3A_36 = arith.constant 0 : i32
      %dma_wait3A_37 = tpu.memref_slice %arg7[%add3A_4, %dma_wait3A_36] : memref<10000x128xf32, #tpu.memory_space<vmem_shared>> -> memref<128x128xf32, #tpu.memory_space<vmem_shared>>
      tpu.wait_dma2 semaphore(%run_scoped3A : memref<!tpu.dma_semaphore, #tpu.memory_space<semaphore_mem>>) src(%arg9 : memref<128x128xf32, #tpu.memory_space<vmem>>) dst(%dma_wait3A_37 : memref<128x128xf32, #tpu.memory_space<vmem_shared>>)
      tpu.yield
    }) : () -> ()
    %add3A_5 = arith.constant 128 : i32
    %add3A_6 = arith.addi %mul3A_2, %add3A_5 : i32
    "tpu.region"() ({
      %run_scoped3A = tpu.sem_alloc : memref<!tpu.dma_semaphore, #tpu.memory_space<semaphore_mem>>
      %dma_start3A = arith.constant 0 : i32
      %dma_start3A_32 = tpu.memref_slice %arg7[%add3A_6, %dma_start3A] : memref<10000x128xf32, #tpu.memory_space<vmem_shared>> -> memref<128x128xf32, #tpu.memory_space<vmem_shared>>
      %dma_start3A_33 = arith.constant 0 : i32
      %dma_start3A_34 = tpu.memref_slice %arg7[%add3A_6, %dma_start3A_33] : memref<10000x128xf32, #tpu.memory_space<vmem_shared>> -> memref<128x128xf32, #tpu.memory_space<vmem_shared>>
      tpu.enqueue_dma source(%arg9 : memref<128x128xf32, #tpu.memory_space<vmem>>) target(%dma_start3A_34 : memref<128x128xf32, #tpu.memory_space<vmem_shared>>) target_semaphore(%run_scoped3A : memref<!tpu.dma_semaphore, #tpu.memory_space<semaphore_mem>>)
      %dma_wait3A = arith.constant 0 : i32
      %dma_wait3A_35 = tpu.memref_slice %arg7[%add3A_6, %dma_wait3A] : memref<10000x128xf32, #tpu.memory_space<vmem_shared>> -> memref<128x128xf32, #tpu.memory_space<vmem_shared>>
      %dma_wait3A_36 = arith.constant 0 : i32
      %dma_wait3A_37 = tpu.memref_slice %arg7[%add3A_6, %dma_wait3A_36] : memref<10000x128xf32, #tpu.memory_space<vmem_shared>> -> memref<128x128xf32, #tpu.memory_space<vmem_shared>>
      tpu.wait_dma2 semaphore(%run_scoped3A : memref<!tpu.dma_semaphore, #tpu.memory_space<semaphore_mem>>) src(%arg9 : memref<128x128xf32, #tpu.memory_space<vmem>>) dst(%dma_wait3A_37 : memref<128x128xf32, #tpu.memory_space<vmem_shared>>)
      tpu.yield
    }) : () -> ()
    %add3A_7 = arith.constant 256 : i32
    %add3A_8 = arith.addi %mul3A_2, %add3A_7 : i32
    "tpu.region"() ({
      %run_scoped3A = tpu.sem_alloc : memref<!tpu.dma_semaphore, #tpu.memory_space<semaphore_mem>>
      %dma_start3A = arith.constant 0 : i32
      %dma_start3A_32 = tpu.memref_slice %arg7[%add3A_8, %dma_start3A] : memref<10000x128xf32, #tpu.memory_space<vmem_shared>> -> memref<128x128xf32, #tpu.memory_space<vmem_shared>>
      %dma_start3A_33 = arith.constant 0 : i32
      %dma_start3A_34 = tpu.memref_slice %arg7[%add3A_8, %dma_start3A_33] : memref<10000x128xf32, #tpu.memory_space<vmem_shared>> -> memref<128x128xf32, #tpu.memory_space<vmem_shared>>
      tpu.enqueue_dma source(%arg9 : memref<128x128xf32, #tpu.memory_space<vmem>>) target(%dma_start3A_34 : memref<128x128xf32, #tpu.memory_space<vmem_shared>>) target_semaphore(%run_scoped3A : memref<!tpu.dma_semaphore, #tpu.memory_space<semaphore_mem>>)
      %dma_wait3A = arith.constant 0 : i32
      %dma_wait3A_35 = tpu.memref_slice %arg7[%add3A_8, %dma_wait3A] : memref<10000x128xf32, #tpu.memory_space<vmem_shared>> -> memref<128x128xf32, #tpu.memory_space<vmem_shared>>
      %dma_wait3A_36 = arith.constant 0 : i32
      %dma_wait3A_37 = tpu.memref_slice %arg7[%add3A_8, %dma_wait3A_36] : memref<10000x128xf32, #tpu.memory_space<vmem_shared>> -> memref<128x128xf32, #tpu.memory_space<vmem_shared>>
      tpu.wait_dma2 semaphore(%run_scoped3A : memref<!tpu.dma_semaphore, #tpu.memory_space<semaphore_mem>>) src(%arg9 : memref<128x128xf32, #tpu.memory_space<vmem>>) dst(%dma_wait3A_37 : memref<128x128xf32, #tpu.memory_space<vmem_shared>>)
      tpu.yield
    }) : () -> ()
    %add3A_9 = arith.constant 384 : i32
    %add3A_10 = arith.addi %mul3A_2, %add3A_9 : i32
    "tpu.region"() ({
      %run_scoped3A = tpu.sem_alloc : memref<!tpu.dma_semaphore, #tpu.memory_space<semaphore_mem>>
      %dma_start3A = arith.constant 0 : i32
      %dma_start3A_32 = tpu.memref_slice %arg7[%add3A_10, %dma_start3A] : memref<10000x128xf32, #tpu.memory_space<vmem_shared>> -> memref<128x128xf32, #tpu.memory_space<vmem_shared>>
      %dma_start3A_33 = arith.constant 0 : i32
      %dma_start3A_34 = tpu.memref_slice %arg7[%add3A_10, %dma_start3A_33] : memref<10000x128xf32, #tpu.memory_space<vmem_shared>> -> memref<128x128xf32, #tpu.memory_space<vmem_shared>>
      tpu.enqueue_dma source(%arg9 : memref<128x128xf32, #tpu.memory_space<vmem>>) target(%dma_start3A_34 : memref<128x128xf32, #tpu.memory_space<vmem_shared>>) target_semaphore(%run_scoped3A : memref<!tpu.dma_semaphore, #tpu.memory_space<semaphore_mem>>)
      %dma_wait3A = arith.constant 0 : i32
      %dma_wait3A_35 = tpu.memref_slice %arg7[%add3A_10, %dma_wait3A] : memref<10000x128xf32, #tpu.memory_space<vmem_shared>> -> memref<128x128xf32, #tpu.memory_space<vmem_shared>>
      %dma_wait3A_36 = arith.constant 0 : i32
      %dma_wait3A_37 = tpu.memref_slice %arg7[%add3A_10, %dma_wait3A_36] : memref<10000x128xf32, #tpu.memory_space<vmem_shared>> -> memref<128x128xf32, #tpu.memory_space<vmem_shared>>
      tpu.wait_dma2 semaphore(%run_scoped3A : memref<!tpu.dma_semaphore, #tpu.memory_space<semaphore_mem>>) src(%arg9 : memref<128x128xf32, #tpu.memory_space<vmem>>) dst(%dma_wait3A_37 : memref<128x128xf32, #tpu.memory_space<vmem_shared>>)
      tpu.yield
    }) : () -> ()
    %add3A_11 = arith.constant 512 : i32
    %add3A_12 = arith.addi %mul3A_2, %add3A_11 : i32
    "tpu.region"() ({
      %run_scoped3A = tpu.sem_alloc : memref<!tpu.dma_semaphore, #tpu.memory_space<semaphore_mem>>
      %dma_start3A = arith.constant 0 : i32
      %dma_start3A_32 = arith.constant 0 : i32
      %dma_start3A_33 = tpu.memref_slice %arg9[%dma_start3A, %dma_start3A_32] : memref<128x128xf32, #tpu.memory_space<vmem>> -> memref<113x128xf32, #tpu.memory_space<vmem>>
      %dma_start3A_34 = arith.constant 0 : i32
      %dma_start3A_35 = tpu.memref_slice %arg7[%add3A_12, %dma_start3A_34] : memref<10000x128xf32, #tpu.memory_space<vmem_shared>> -> memref<113x128xf32, #tpu.memory_space<vmem_shared>>
      %dma_start3A_36 = arith.constant 0 : i32
      %dma_start3A_37 = tpu.memref_slice %arg7[%add3A_12, %dma_start3A_36] : memref<10000x128xf32, #tpu.memory_space<vmem_shared>> -> memref<113x128xf32, #tpu.memory_space<vmem_shared>>
      %dma_start3A_38 = arith.constant 0 : i32
      %dma_start3A_39 = arith.constant 0 : i32
      %dma_start3A_40 = tpu.memref_slice %arg9[%dma_start3A_38, %dma_start3A_39] : memref<128x128xf32, #tpu.memory_space<vmem>> -> memref<113x128xf32, #tpu.memory_space<vmem>>
      tpu.enqueue_dma source(%dma_start3A_40 : memref<113x128xf32, #tpu.memory_space<vmem>>) target(%dma_start3A_37 : memref<113x128xf32, #tpu.memory_space<vmem_shared>>) target_semaphore(%run_scoped3A : memref<!tpu.dma_semaphore, #tpu.memory_space<semaphore_mem>>)
      %dma_wait3A = arith.constant 0 : i32
      %dma_wait3A_41 = arith.constant 0 : i32
      %dma_wait3A_42 = tpu.memref_slice %arg9[%dma_wait3A, %dma_wait3A_41] : memref<128x128xf32, #tpu.memory_space<vmem>> -> memref<113x128xf32, #tpu.memory_space<vmem>>
      %dma_wait3A_43 = arith.constant 0 : i32
      %dma_wait3A_44 = tpu.memref_slice %arg7[%add3A_12, %dma_wait3A_43] : memref<10000x128xf32, #tpu.memory_space<vmem_shared>> -> memref<113x128xf32, #tpu.memory_space<vmem_shared>>
      %dma_wait3A_45 = arith.constant 0 : i32
      %dma_wait3A_46 = tpu.memref_slice %arg7[%add3A_12, %dma_wait3A_45] : memref<10000x128xf32, #tpu.memory_space<vmem_shared>> -> memref<113x128xf32, #tpu.memory_space<vmem_shared>>
      %dma_wait3A_47 = arith.constant 0 : i32
      %dma_wait3A_48 = arith.constant 0 : i32
      %dma_wait3A_49 = tpu.memref_slice %arg9[%dma_wait3A_47, %dma_wait3A_48] : memref<128x128xf32, #tpu.memory_space<vmem>> -> memref<113x128xf32, #tpu.memory_space<vmem>>
      tpu.wait_dma2 semaphore(%run_scoped3A : memref<!tpu.dma_semaphore, #tpu.memory_space<semaphore_mem>>) src(%dma_wait3A_49 : memref<113x128xf32, #tpu.memory_space<vmem>>) dst(%dma_wait3A_46 : memref<113x128xf32, #tpu.memory_space<vmem_shared>>)
      tpu.yield
    }) : () -> ()
    %barrier3A = arith.constant 0 : index
    tpu.barrier barrier_id(%barrier3A)
    %mul3A_13 = arith.constant 80 : i32
    %mul3A_14 = arith.muli %add3A, %mul3A_13 : i32
    %sub3A = arith.constant 2500 : i32
    %sub3A_15 = arith.subi %sub3A, %mul3A_14 : i32
    %jit3A = arith.constant 0 : i32
    %jit3A_16 = arith.constant 80 : i32
    %max3A = arith.maxsi %jit3A, %sub3A_15 : i32
    %min3A = arith.minsi %jit3A_16, %max3A : i32
    %scan3A = arith.constant 0 : i32
    %scan3A_17 = arith.constant 0 : i32
    %scan3A_18 = arith.constant 10 : i32
    %scan3A_19 = arith.addi %scan3A_17, %scan3A_18 : i32
    %scan3A_20 = arith.constant 1 : i32
    scf.for %scan3A_32 = %scan3A_17 to %scan3A_19 step %scan3A_20  : i32 {
      %mul3A_33 = arith.constant 8 : i32
      %mul3A_34 = arith.muli %scan3A_32, %mul3A_33 : i32
      %sub3A_35 = arith.subi %min3A, %mul3A_34 : i32
      %jit3A_36 = arith.constant 0 : i32
      %jit3A_37 = arith.constant 8 : i32
      %max3A_38 = arith.maxsi %jit3A_36, %sub3A_35 : i32
      %min3A_39 = arith.minsi %jit3A_37, %max3A_38 : i32
      %gt3A = arith.constant 0 : i32
      %gt3A_40 = arith.cmpi sgt, %min3A_39, %gt3A : i32
      %convert_element_type3A_41 = arith.extui %gt3A_40 : i1 to i32
      %cond3A_42 = arith.constant 0 : i32
      %cond3A_43 = arith.cmpi ne, %convert_element_type3A_41, %cond3A_42 : i32
      scf.if %cond3A_43 {
        %add3A_44 = arith.addi %mul3A_14, %mul3A_34 : i32
        "tpu.region"() ({
          %run_scoped3A = tpu.sem_alloc : memref<!tpu.dma_semaphore, #tpu.memory_space<semaphore_mem>>
          %dma_start3A_86 = arith.constant 0 : i32
          %dma_start3A_87 = tpu.memref_slice %arg3[%add3A_44, %dma_start3A_86] : memref<2560x128xi32, #tpu.memory_space<hbm>> -> memref<8x128xi32, #tpu.memory_space<hbm>>
          %dma_start3A_88 = arith.constant 0 : i32
          %dma_start3A_89 = tpu.memref_slice %arg3[%add3A_44, %dma_start3A_88] : memref<2560x128xi32, #tpu.memory_space<hbm>> -> memref<8x128xi32, #tpu.memory_space<hbm>>
          tpu.enqueue_dma source(%dma_start3A_89 : memref<8x128xi32, #tpu.memory_space<hbm>>) target(%arg8 : memref<8x128xi32, #tpu.memory_space<vmem>>) target_semaphore(%run_scoped3A : memref<!tpu.dma_semaphore, #tpu.memory_space<semaphore_mem>>)
          %dma_wait3A = arith.constant 0 : i32
          %dma_wait3A_90 = tpu.memref_slice %arg3[%add3A_44, %dma_wait3A] : memref<2560x128xi32, #tpu.memory_space<hbm>> -> memref<8x128xi32, #tpu.memory_space<hbm>>
          %dma_wait3A_91 = arith.constant 0 : i32
          %dma_wait3A_92 = tpu.memref_slice %arg3[%add3A_44, %dma_wait3A_91] : memref<2560x128xi32, #tpu.memory_space<hbm>> -> memref<8x128xi32, #tpu.memory_space<hbm>>
          tpu.wait_dma2 semaphore(%run_scoped3A : memref<!tpu.dma_semaphore, #tpu.memory_space<semaphore_mem>>) src(%dma_wait3A_92 : memref<8x128xi32, #tpu.memory_space<hbm>>) dst(%arg8 : memref<8x128xi32, #tpu.memory_space<vmem>>)
          tpu.yield
        }) : () -> ()
        %add3A_45 = arith.addi %mul3A_14, %mul3A_34 : i32
        %add3A_46 = arith.constant 0 : i32
        %add3A_47 = arith.addi %add3A_45, %add3A_46 : i32
        %dma_start3A = arith.constant 0 : i32
        %dma_start3A_48 = arith.constant 0 : i32
        %dma_start3A_49 = tpu.memref_slice %arg2[%add3A_47, %dma_start3A, %dma_start3A_48] : memref<2500x128x128xf32, #tpu.memory_space<hbm>> -> memref<1x128x128xf32, #tpu.memory_space<hbm>>
        %dma_start3A_50 = tpu.memref_squeeze %dma_start3A_49 : memref<1x128x128xf32, #tpu.memory_space<hbm>> -> memref<128x128xf32, #tpu.memory_space<hbm>>
        %dma_start3A_51 = arith.constant 0 : i32
        %dma_start3A_52 = arith.constant 0 : i32
        %dma_start3A_53 = tpu.memref_slice %arg2[%add3A_47, %dma_start3A_51, %dma_start3A_52] : memref<2500x128x128xf32, #tpu.memory_space<hbm>> -> memref<1x128x128xf32, #tpu.memory_space<hbm>>
        %dma_start3A_54 = tpu.memref_squeeze %dma_start3A_53 : memref<1x128x128xf32, #tpu.memory_space<hbm>> -> memref<128x128xf32, #tpu.memory_space<hbm>>
        tpu.enqueue_dma source(%dma_start3A_54 : memref<128x128xf32, #tpu.memory_space<hbm>>) target(%arg9 : memref<128x128xf32, #tpu.memory_space<vmem>>) target_semaphore(%arg12 : memref<!tpu.dma_semaphore, #tpu.memory_space<semaphore_mem>>)
        %add3A_55 = arith.addi %mul3A_14, %mul3A_34 : i32
        %add3A_56 = arith.constant 1 : i32
        %add3A_57 = arith.addi %add3A_55, %add3A_56 : i32
        %dma_start3A_58 = arith.constant 0 : i32
        %dma_start3A_59 = arith.constant 0 : i32
        %dma_start3A_60 = tpu.memref_slice %arg2[%add3A_57, %dma_start3A_58, %dma_start3A_59] : memref<2500x128x128xf32, #tpu.memory_space<hbm>> -> memref<1x128x128xf32, #tpu.memory_space<hbm>>
        %dma_start3A_61 = tpu.memref_squeeze %dma_start3A_60 : memref<1x128x128xf32, #tpu.memory_space<hbm>> -> memref<128x128xf32, #tpu.memory_space<hbm>>
        %dma_start3A_62 = arith.constant 0 : i32
        %dma_start3A_63 = arith.constant 0 : i32
        %dma_start3A_64 = tpu.memref_slice %arg2[%add3A_57, %dma_start3A_62, %dma_start3A_63] : memref<2500x128x128xf32, #tpu.memory_space<hbm>> -> memref<1x128x128xf32, #tpu.memory_space<hbm>>
        %dma_start3A_65 = tpu.memref_squeeze %dma_start3A_64 : memref<1x128x128xf32, #tpu.memory_space<hbm>> -> memref<128x128xf32, #tpu.memory_space<hbm>>
        tpu.enqueue_dma source(%dma_start3A_65 : memref<128x128xf32, #tpu.memory_space<hbm>>) target(%arg10 : memref<128x128xf32, #tpu.memory_space<vmem>>) target_semaphore(%arg13 : memref<!tpu.dma_semaphore, #tpu.memory_space<semaphore_mem>>)
        %add3A_66 = arith.addi %mul3A_14, %mul3A_34 : i32
        %add3A_67 = arith.constant 2 : i32
        %add3A_68 = arith.addi %add3A_66, %add3A_67 : i32
        %dma_start3A_69 = arith.constant 0 : i32
        %dma_start3A_70 = arith.constant 0 : i32
        %dma_start3A_71 = tpu.memref_slice %arg2[%add3A_68, %dma_start3A_69, %dma_start3A_70] : memref<2500x128x128xf32, #tpu.memory_space<hbm>> -> memref<1x128x128xf32, #tpu.memory_space<hbm>>
        %dma_start3A_72 = tpu.memref_squeeze %dma_start3A_71 : memref<1x128x128xf32, #tpu.memory_space<hbm>> -> memref<128x128xf32, #tpu.memory_space<hbm>>
        %dma_start3A_73 = arith.constant 0 : i32
        %dma_start3A_74 = arith.constant 0 : i32
        %dma_start3A_75 = tpu.memref_slice %arg2[%add3A_68, %dma_start3A_73, %dma_start3A_74] : memref<2500x128x128xf32, #tpu.memory_space<hbm>> -> memref<1x128x128xf32, #tpu.memory_space<hbm>>
        %dma_start3A_76 = tpu.memref_squeeze %dma_start3A_75 : memref<1x128x128xf32, #tpu.memory_space<hbm>> -> memref<128x128xf32, #tpu.memory_space<hbm>>
        tpu.enqueue_dma source(%dma_start3A_76 : memref<128x128xf32, #tpu.memory_space<hbm>>) target(%arg11 : memref<128x128xf32, #tpu.memory_space<vmem>>) target_semaphore(%arg14 : memref<!tpu.dma_semaphore, #tpu.memory_space<semaphore_mem>>)
        %while3A = arith.constant 0 : i32
        %while3A_77 = arith.constant 0 : i32
        %while3A_78 = arith.subi %min3A_39, %while3A_77 : i32
        %while3A_79 = arith.addi %while3A_77, %while3A_78 : i32
        %while3A_80 = arith.constant 1 : i32
        %while3A_81 = arith.divsi %while3A_78, %while3A_80 : i32
        %while3A_82 = arith.muli %while3A_81, %while3A_80 : i32
        %while3A_83 = arith.addi %while3A_77, %while3A_82 : i32
        %while3A_84 = arith.constant 1 : i32
        scf.for %while3A_86 = %while3A_77 to %while3A_83 step %while3A_84  : i32 {
          %rem3A = arith.constant 3 : i32
          %rem3A_87 = arith.remsi %while3A_86, %rem3A : i32
          %eq3A_88 = arith.constant 0 : i32
          %eq3A_89 = arith.cmpi eq, %rem3A_87, %eq3A_88 : i32
          %convert_element_type3A_90 = arith.extui %eq3A_89 : i1 to i32
          %cond3A_91 = arith.constant 0 : i32
          %cond3A_92 = arith.cmpi ne, %convert_element_type3A_90, %cond3A_91 : i32
          scf.if %cond3A_92 {
            %dma_wait3A = arith.constant 0 : i32
            %dma_wait3A_103 = arith.constant 0 : i32
            %dma_wait3A_104 = arith.constant 0 : i32
            %dma_wait3A_105 = tpu.memref_slice %arg2[%dma_wait3A, %dma_wait3A_103, %dma_wait3A_104] : memref<2500x128x128xf32, #tpu.memory_space<hbm>> -> memref<1x128x128xf32, #tpu.memory_space<hbm>>
            %dma_wait3A_106 = tpu.memref_squeeze %dma_wait3A_105 : memref<1x128x128xf32, #tpu.memory_space<hbm>> -> memref<128x128xf32, #tpu.memory_space<hbm>>
            %dma_wait3A_107 = arith.constant 0 : i32
            %dma_wait3A_108 = arith.constant 0 : i32
            %dma_wait3A_109 = tpu.memref_slice %arg2[%dma_wait3A, %dma_wait3A_107, %dma_wait3A_108] : memref<2500x128x128xf32, #tpu.memory_space<hbm>> -> memref<1x128x128xf32, #tpu.memory_space<hbm>>
            %dma_wait3A_110 = tpu.memref_squeeze %dma_wait3A_109 : memref<1x128x128xf32, #tpu.memory_space<hbm>> -> memref<128x128xf32, #tpu.memory_space<hbm>>
            tpu.wait_dma2 semaphore(%arg12 : memref<!tpu.dma_semaphore, #tpu.memory_space<semaphore_mem>>) src(%dma_wait3A_110 : memref<128x128xf32, #tpu.memory_space<hbm>>) dst(%arg9 : memref<128x128xf32, #tpu.memory_space<vmem>>)
            "tpu.region"() ({
              %run_scoped3A = tpu.sem_alloc : memref<!tpu.dma_semaphore, #tpu.memory_space<semaphore_mem>>
              %dma_start3A_116 = arith.constant 0 : i32
              %dma_start3A_117 = tpu.memref_slice %arg8[%while3A_86, %dma_start3A_116] : memref<8x128xi32, #tpu.memory_space<vmem>> -> memref<1x128xi32, #tpu.memory_space<vmem>>
              %dma_start3A_118 = tpu.memref_squeeze %dma_start3A_117 : memref<1x128xi32, #tpu.memory_space<vmem>> -> memref<128xi32, #tpu.memory_space<vmem>>
              %dma_start3A_119 = arith.constant 0 : i32
              %dma_start3A_120 = arith.constant 0 : i32
              %dma_start3A_121 = tpu.memref_slice %arg7[%dma_start3A_119, %dma_start3A_120] : memref<10000x128xf32, #tpu.memory_space<vmem_shared>> -> memref<10000x128xf32, #tpu.memory_space<vmem_shared>>
              tpu.enqueue_indirect_dma source(%arg9 : memref<128x128xf32, #tpu.memory_space<vmem>>) target(%dma_start3A_121 : memref<10000x128xf32, #tpu.memory_space<vmem_shared>>) offsets(%dma_start3A_118 : memref<128xi32, #tpu.memory_space<vmem>>) semaphore(%run_scoped3A : memref<!tpu.dma_semaphore, #tpu.memory_space<semaphore_mem>>) {add = true}
              %dma_wait3A_122 = arith.constant 0 : i32
              %dma_wait3A_123 = tpu.memref_slice %arg8[%while3A_86, %dma_wait3A_122] : memref<8x128xi32, #tpu.memory_space<vmem>> -> memref<1x128xi32, #tpu.memory_space<vmem>>
              %dma_wait3A_124 = tpu.memref_squeeze %dma_wait3A_123 : memref<1x128xi32, #tpu.memory_space<vmem>> -> memref<128xi32, #tpu.memory_space<vmem>>
              %dma_wait3A_125 = arith.constant 0 : i32
              %dma_wait3A_126 = arith.constant 0 : i32
              %dma_wait3A_127 = tpu.memref_slice %arg7[%dma_wait3A_125, %dma_wait3A_126] : memref<10000x128xf32, #tpu.memory_space<vmem_shared>> -> memref<10000x128xf32, #tpu.memory_space<vmem_shared>>
              tpu.wait_indirect_dma semaphore(%run_scoped3A : memref<!tpu.dma_semaphore, #tpu.memory_space<semaphore_mem>>) src(%arg9 : memref<128x128xf32, #tpu.memory_space<vmem>>) dst(%dma_wait3A_127 : memref<10000x128xf32, #tpu.memory_space<vmem_shared>>)
              tpu.yield
            }) : () -> ()
            %add3A_111 = arith.constant 3 : i32
            %add3A_112 = arith.addi %while3A_86, %add3A_111 : i32
            %lt3A = arith.cmpi slt, %add3A_112, %min3A_39 : i32
            %convert_element_type3A_113 = arith.extui %lt3A : i1 to i32
            %cond3A_114 = arith.constant 0 : i32
            %cond3A_115 = arith.cmpi ne, %convert_element_type3A_113, %cond3A_114 : i32
            scf.if %cond3A_115 {
              %add3A_116 = arith.addi %mul3A_14, %mul3A_34 : i32
              %add3A_117 = arith.addi %add3A_116, %while3A_86 : i32
              %add3A_118 = arith.constant 3 : i32
              %add3A_119 = arith.addi %add3A_117, %add3A_118 : i32
              %dma_start3A_120 = arith.constant 0 : i32
              %dma_start3A_121 = arith.constant 0 : i32
              %dma_start3A_122 = tpu.memref_slice %arg2[%add3A_119, %dma_start3A_120, %dma_start3A_121] : memref<2500x128x128xf32, #tpu.memory_space<hbm>> -> memref<1x128x128xf32, #tpu.memory_space<hbm>>
              %dma_start3A_123 = tpu.memref_squeeze %dma_start3A_122 : memref<1x128x128xf32, #tpu.memory_space<hbm>> -> memref<128x128xf32, #tpu.memory_space<hbm>>
              %dma_start3A_124 = arith.constant 0 : i32
              %dma_start3A_125 = arith.constant 0 : i32
              %dma_start3A_126 = tpu.memref_slice %arg2[%add3A_119, %dma_start3A_124, %dma_start3A_125] : memref<2500x128x128xf32, #tpu.memory_space<hbm>> -> memref<1x128x128xf32, #tpu.memory_space<hbm>>
              %dma_start3A_127 = tpu.memref_squeeze %dma_start3A_126 : memref<1x128x128xf32, #tpu.memory_space<hbm>> -> memref<128x128xf32, #tpu.memory_space<hbm>>
              tpu.enqueue_dma source(%dma_start3A_127 : memref<128x128xf32, #tpu.memory_space<hbm>>) target(%arg9 : memref<128x128xf32, #tpu.memory_space<vmem>>) target_semaphore(%arg12 : memref<!tpu.dma_semaphore, #tpu.memory_space<semaphore_mem>>)
            } else {
            }
          } else {
          }
          %eq3A_93 = arith.constant 1 : i32
          %eq3A_94 = arith.cmpi eq, %rem3A_87, %eq3A_93 : i32
          %convert_element_type3A_95 = arith.extui %eq3A_94 : i1 to i32
          %cond3A_96 = arith.constant 0 : i32
          %cond3A_97 = arith.cmpi ne, %convert_element_type3A_95, %cond3A_96 : i32
          scf.if %cond3A_97 {
            %dma_wait3A = arith.constant 0 : i32
            %dma_wait3A_103 = arith.constant 0 : i32
            %dma_wait3A_104 = arith.constant 0 : i32
            %dma_wait3A_105 = tpu.memref_slice %arg2[%dma_wait3A, %dma_wait3A_103, %dma_wait3A_104] : memref<2500x128x128xf32, #tpu.memory_space<hbm>> -> memref<1x128x128xf32, #tpu.memory_space<hbm>>
            %dma_wait3A_106 = tpu.memref_squeeze %dma_wait3A_105 : memref<1x128x128xf32, #tpu.memory_space<hbm>> -> memref<128x128xf32, #tpu.memory_space<hbm>>
            %dma_wait3A_107 = arith.constant 0 : i32
            %dma_wait3A_108 = arith.constant 0 : i32
            %dma_wait3A_109 = tpu.memref_slice %arg2[%dma_wait3A, %dma_wait3A_107, %dma_wait3A_108] : memref<2500x128x128xf32, #tpu.memory_space<hbm>> -> memref<1x128x128xf32, #tpu.memory_space<hbm>>
            %dma_wait3A_110 = tpu.memref_squeeze %dma_wait3A_109 : memref<1x128x128xf32, #tpu.memory_space<hbm>> -> memref<128x128xf32, #tpu.memory_space<hbm>>
            tpu.wait_dma2 semaphore(%arg13 : memref<!tpu.dma_semaphore, #tpu.memory_space<semaphore_mem>>) src(%dma_wait3A_110 : memref<128x128xf32, #tpu.memory_space<hbm>>) dst(%arg10 : memref<128x128xf32, #tpu.memory_space<vmem>>)
            "tpu.region"() ({
              %run_scoped3A = tpu.sem_alloc : memref<!tpu.dma_semaphore, #tpu.memory_space<semaphore_mem>>
              %dma_start3A_116 = arith.constant 0 : i32
              %dma_start3A_117 = tpu.memref_slice %arg8[%while3A_86, %dma_start3A_116] : memref<8x128xi32, #tpu.memory_space<vmem>> -> memref<1x128xi32, #tpu.memory_space<vmem>>
              %dma_start3A_118 = tpu.memref_squeeze %dma_start3A_117 : memref<1x128xi32, #tpu.memory_space<vmem>> -> memref<128xi32, #tpu.memory_space<vmem>>
              %dma_start3A_119 = arith.constant 0 : i32
              %dma_start3A_120 = arith.constant 0 : i32
              %dma_start3A_121 = tpu.memref_slice %arg7[%dma_start3A_119, %dma_start3A_120] : memref<10000x128xf32, #tpu.memory_space<vmem_shared>> -> memref<10000x128xf32, #tpu.memory_space<vmem_shared>>
              tpu.enqueue_indirect_dma source(%arg10 : memref<128x128xf32, #tpu.memory_space<vmem>>) target(%dma_start3A_121 : memref<10000x128xf32, #tpu.memory_space<vmem_shared>>) offsets(%dma_start3A_118 : memref<128xi32, #tpu.memory_space<vmem>>) semaphore(%run_scoped3A : memref<!tpu.dma_semaphore, #tpu.memory_space<semaphore_mem>>) {add = true}
              %dma_wait3A_122 = arith.constant 0 : i32
              %dma_wait3A_123 = tpu.memref_slice %arg8[%while3A_86, %dma_wait3A_122] : memref<8x128xi32, #tpu.memory_space<vmem>> -> memref<1x128xi32, #tpu.memory_space<vmem>>
              %dma_wait3A_124 = tpu.memref_squeeze %dma_wait3A_123 : memref<1x128xi32, #tpu.memory_space<vmem>> -> memref<128xi32, #tpu.memory_space<vmem>>
              %dma_wait3A_125 = arith.constant 0 : i32
              %dma_wait3A_126 = arith.constant 0 : i32
              %dma_wait3A_127 = tpu.memref_slice %arg7[%dma_wait3A_125, %dma_wait3A_126] : memref<10000x128xf32, #tpu.memory_space<vmem_shared>> -> memref<10000x128xf32, #tpu.memory_space<vmem_shared>>
              tpu.wait_indirect_dma semaphore(%run_scoped3A : memref<!tpu.dma_semaphore, #tpu.memory_space<semaphore_mem>>) src(%arg10 : memref<128x128xf32, #tpu.memory_space<vmem>>) dst(%dma_wait3A_127 : memref<10000x128xf32, #tpu.memory_space<vmem_shared>>)
              tpu.yield
            }) : () -> ()
            %add3A_111 = arith.constant 3 : i32
            %add3A_112 = arith.addi %while3A_86, %add3A_111 : i32
            %lt3A = arith.cmpi slt, %add3A_112, %min3A_39 : i32
            %convert_element_type3A_113 = arith.extui %lt3A : i1 to i32
            %cond3A_114 = arith.constant 0 : i32
            %cond3A_115 = arith.cmpi ne, %convert_element_type3A_113, %cond3A_114 : i32
            scf.if %cond3A_115 {
              %add3A_116 = arith.addi %mul3A_14, %mul3A_34 : i32
              %add3A_117 = arith.addi %add3A_116, %while3A_86 : i32
              %add3A_118 = arith.constant 3 : i32
              %add3A_119 = arith.addi %add3A_117, %add3A_118 : i32
              %dma_start3A_120 = arith.constant 0 : i32
              %dma_start3A_121 = arith.constant 0 : i32
              %dma_start3A_122 = tpu.memref_slice %arg2[%add3A_119, %dma_start3A_120, %dma_start3A_121] : memref<2500x128x128xf32, #tpu.memory_space<hbm>> -> memref<1x128x128xf32, #tpu.memory_space<hbm>>
              %dma_start3A_123 = tpu.memref_squeeze %dma_start3A_122 : memref<1x128x128xf32, #tpu.memory_space<hbm>> -> memref<128x128xf32, #tpu.memory_space<hbm>>
              %dma_start3A_124 = arith.constant 0 : i32
              %dma_start3A_125 = arith.constant 0 : i32
              %dma_start3A_126 = tpu.memref_slice %arg2[%add3A_119, %dma_start3A_124, %dma_start3A_125] : memref<2500x128x128xf32, #tpu.memory_space<hbm>> -> memref<1x128x128xf32, #tpu.memory_space<hbm>>
              %dma_start3A_127 = tpu.memref_squeeze %dma_start3A_126 : memref<1x128x128xf32, #tpu.memory_space<hbm>> -> memref<128x128xf32, #tpu.memory_space<hbm>>
              tpu.enqueue_dma source(%dma_start3A_127 : memref<128x128xf32, #tpu.memory_space<hbm>>) target(%arg10 : memref<128x128xf32, #tpu.memory_space<vmem>>) target_semaphore(%arg13 : memref<!tpu.dma_semaphore, #tpu.memory_space<semaphore_mem>>)
            } else {
            }
          } else {
          }
          %eq3A_98 = arith.constant 2 : i32
          %eq3A_99 = arith.cmpi eq, %rem3A_87, %eq3A_98 : i32
          %convert_element_type3A_100 = arith.extui %eq3A_99 : i1 to i32
          %cond3A_101 = arith.constant 0 : i32
          %cond3A_102 = arith.cmpi ne, %convert_element_type3A_100, %cond3A_101 : i32
          scf.if %cond3A_102 {
            %dma_wait3A = arith.constant 0 : i32
            %dma_wait3A_103 = arith.constant 0 : i32
            %dma_wait3A_104 = arith.constant 0 : i32
            %dma_wait3A_105 = tpu.memref_slice %arg2[%dma_wait3A, %dma_wait3A_103, %dma_wait3A_104] : memref<2500x128x128xf32, #tpu.memory_space<hbm>> -> memref<1x128x128xf32, #tpu.memory_space<hbm>>
            %dma_wait3A_106 = tpu.memref_squeeze %dma_wait3A_105 : memref<1x128x128xf32, #tpu.memory_space<hbm>> -> memref<128x128xf32, #tpu.memory_space<hbm>>
            %dma_wait3A_107 = arith.constant 0 : i32
            %dma_wait3A_108 = arith.constant 0 : i32
            %dma_wait3A_109 = tpu.memref_slice %arg2[%dma_wait3A, %dma_wait3A_107, %dma_wait3A_108] : memref<2500x128x128xf32, #tpu.memory_space<hbm>> -> memref<1x128x128xf32, #tpu.memory_space<hbm>>
            %dma_wait3A_110 = tpu.memref_squeeze %dma_wait3A_109 : memref<1x128x128xf32, #tpu.memory_space<hbm>> -> memref<128x128xf32, #tpu.memory_space<hbm>>
            tpu.wait_dma2 semaphore(%arg14 : memref<!tpu.dma_semaphore, #tpu.memory_space<semaphore_mem>>) src(%dma_wait3A_110 : memref<128x128xf32, #tpu.memory_space<hbm>>) dst(%arg11 : memref<128x128xf32, #tpu.memory_space<vmem>>)
            "tpu.region"() ({
              %run_scoped3A = tpu.sem_alloc : memref<!tpu.dma_semaphore, #tpu.memory_space<semaphore_mem>>
              %dma_start3A_116 = arith.constant 0 : i32
              %dma_start3A_117 = tpu.memref_slice %arg8[%while3A_86, %dma_start3A_116] : memref<8x128xi32, #tpu.memory_space<vmem>> -> memref<1x128xi32, #tpu.memory_space<vmem>>
              %dma_start3A_118 = tpu.memref_squeeze %dma_start3A_117 : memref<1x128xi32, #tpu.memory_space<vmem>> -> memref<128xi32, #tpu.memory_space<vmem>>
              %dma_start3A_119 = arith.constant 0 : i32
              %dma_start3A_120 = arith.constant 0 : i32
              %dma_start3A_121 = tpu.memref_slice %arg7[%dma_start3A_119, %dma_start3A_120] : memref<10000x128xf32, #tpu.memory_space<vmem_shared>> -> memref<10000x128xf32, #tpu.memory_space<vmem_shared>>
              tpu.enqueue_indirect_dma source(%arg11 : memref<128x128xf32, #tpu.memory_space<vmem>>) target(%dma_start3A_121 : memref<10000x128xf32, #tpu.memory_space<vmem_shared>>) offsets(%dma_start3A_118 : memref<128xi32, #tpu.memory_space<vmem>>) semaphore(%run_scoped3A : memref<!tpu.dma_semaphore, #tpu.memory_space<semaphore_mem>>) {add = true}
              %dma_wait3A_122 = arith.constant 0 : i32
              %dma_wait3A_123 = tpu.memref_slice %arg8[%while3A_86, %dma_wait3A_122] : memref<8x128xi32, #tpu.memory_space<vmem>> -> memref<1x128xi32, #tpu.memory_space<vmem>>
              %dma_wait3A_124 = tpu.memref_squeeze %dma_wait3A_123 : memref<1x128xi32, #tpu.memory_space<vmem>> -> memref<128xi32, #tpu.memory_space<vmem>>
              %dma_wait3A_125 = arith.constant 0 : i32
              %dma_wait3A_126 = arith.constant 0 : i32
              %dma_wait3A_127 = tpu.memref_slice %arg7[%dma_wait3A_125, %dma_wait3A_126] : memref<10000x128xf32, #tpu.memory_space<vmem_shared>> -> memref<10000x128xf32, #tpu.memory_space<vmem_shared>>
              tpu.wait_indirect_dma semaphore(%run_scoped3A : memref<!tpu.dma_semaphore, #tpu.memory_space<semaphore_mem>>) src(%arg11 : memref<128x128xf32, #tpu.memory_space<vmem>>) dst(%dma_wait3A_127 : memref<10000x128xf32, #tpu.memory_space<vmem_shared>>)
              tpu.yield
            }) : () -> ()
            %add3A_111 = arith.constant 3 : i32
            %add3A_112 = arith.addi %while3A_86, %add3A_111 : i32
            %lt3A = arith.cmpi slt, %add3A_112, %min3A_39 : i32
            %convert_element_type3A_113 = arith.extui %lt3A : i1 to i32
            %cond3A_114 = arith.constant 0 : i32
            %cond3A_115 = arith.cmpi ne, %convert_element_type3A_113, %cond3A_114 : i32
            scf.if %cond3A_115 {
              %add3A_116 = arith.addi %mul3A_14, %mul3A_34 : i32
              %add3A_117 = arith.addi %add3A_116, %while3A_86 : i32
              %add3A_118 = arith.constant 3 : i32
              %add3A_119 = arith.addi %add3A_117, %add3A_118 : i32
              %dma_start3A_120 = arith.constant 0 : i32
              %dma_start3A_121 = arith.constant 0 : i32
              %dma_start3A_122 = tpu.memref_slice %arg2[%add3A_119, %dma_start3A_120, %dma_start3A_121] : memref<2500x128x128xf32, #tpu.memory_space<hbm>> -> memref<1x128x128xf32, #tpu.memory_space<hbm>>
              %dma_start3A_123 = tpu.memref_squeeze %dma_start3A_122 : memref<1x128x128xf32, #tpu.memory_space<hbm>> -> memref<128x128xf32, #tpu.memory_space<hbm>>
              %dma_start3A_124 = arith.constant 0 : i32
              %dma_start3A_125 = arith.constant 0 : i32
              %dma_start3A_126 = tpu.memref_slice %arg2[%add3A_119, %dma_start3A_124, %dma_start3A_125] : memref<2500x128x128xf32, #tpu.memory_space<hbm>> -> memref<1x128x128xf32, #tpu.memory_space<hbm>>
              %dma_start3A_127 = tpu.memref_squeeze %dma_start3A_126 : memref<1x128x128xf32, #tpu.memory_space<hbm>> -> memref<128x128xf32, #tpu.memory_space<hbm>>
              tpu.enqueue_dma source(%dma_start3A_127 : memref<128x128xf32, #tpu.memory_space<hbm>>) target(%arg11 : memref<128x128xf32, #tpu.memory_space<vmem>>) target_semaphore(%arg14 : memref<!tpu.dma_semaphore, #tpu.memory_space<semaphore_mem>>)
            } else {
            }
          } else {
          }
        }
        %while3A_85 = arith.constant 1 : i32
        scf.for %while3A_86 = %while3A_83 to %while3A_79 step %while3A_85  : i32 {
          %rem3A = arith.constant 3 : i32
          %rem3A_87 = arith.remsi %while3A_86, %rem3A : i32
          %eq3A_88 = arith.constant 0 : i32
          %eq3A_89 = arith.cmpi eq, %rem3A_87, %eq3A_88 : i32
          %convert_element_type3A_90 = arith.extui %eq3A_89 : i1 to i32
          %cond3A_91 = arith.constant 0 : i32
          %cond3A_92 = arith.cmpi ne, %convert_element_type3A_90, %cond3A_91 : i32
          scf.if %cond3A_92 {
            %dma_wait3A = arith.constant 0 : i32
            %dma_wait3A_103 = arith.constant 0 : i32
            %dma_wait3A_104 = arith.constant 0 : i32
            %dma_wait3A_105 = tpu.memref_slice %arg2[%dma_wait3A, %dma_wait3A_103, %dma_wait3A_104] : memref<2500x128x128xf32, #tpu.memory_space<hbm>> -> memref<1x128x128xf32, #tpu.memory_space<hbm>>
            %dma_wait3A_106 = tpu.memref_squeeze %dma_wait3A_105 : memref<1x128x128xf32, #tpu.memory_space<hbm>> -> memref<128x128xf32, #tpu.memory_space<hbm>>
            %dma_wait3A_107 = arith.constant 0 : i32
            %dma_wait3A_108 = arith.constant 0 : i32
            %dma_wait3A_109 = tpu.memref_slice %arg2[%dma_wait3A, %dma_wait3A_107, %dma_wait3A_108] : memref<2500x128x128xf32, #tpu.memory_space<hbm>> -> memref<1x128x128xf32, #tpu.memory_space<hbm>>
            %dma_wait3A_110 = tpu.memref_squeeze %dma_wait3A_109 : memref<1x128x128xf32, #tpu.memory_space<hbm>> -> memref<128x128xf32, #tpu.memory_space<hbm>>
            tpu.wait_dma2 semaphore(%arg12 : memref<!tpu.dma_semaphore, #tpu.memory_space<semaphore_mem>>) src(%dma_wait3A_110 : memref<128x128xf32, #tpu.memory_space<hbm>>) dst(%arg9 : memref<128x128xf32, #tpu.memory_space<vmem>>)
            "tpu.region"() ({
              %run_scoped3A = tpu.sem_alloc : memref<!tpu.dma_semaphore, #tpu.memory_space<semaphore_mem>>
              %dma_start3A_116 = arith.constant 0 : i32
              %dma_start3A_117 = tpu.memref_slice %arg8[%while3A_86, %dma_start3A_116] : memref<8x128xi32, #tpu.memory_space<vmem>> -> memref<1x128xi32, #tpu.memory_space<vmem>>
              %dma_start3A_118 = tpu.memref_squeeze %dma_start3A_117 : memref<1x128xi32, #tpu.memory_space<vmem>> -> memref<128xi32, #tpu.memory_space<vmem>>
              %dma_start3A_119 = arith.constant 0 : i32
              %dma_start3A_120 = arith.constant 0 : i32
              %dma_start3A_121 = tpu.memref_slice %arg7[%dma_start3A_119, %dma_start3A_120] : memref<10000x128xf32, #tpu.memory_space<vmem_shared>> -> memref<10000x128xf32, #tpu.memory_space<vmem_shared>>
              tpu.enqueue_indirect_dma source(%arg9 : memref<128x128xf32, #tpu.memory_space<vmem>>) target(%dma_start3A_121 : memref<10000x128xf32, #tpu.memory_space<vmem_shared>>) offsets(%dma_start3A_118 : memref<128xi32, #tpu.memory_space<vmem>>) semaphore(%run_scoped3A : memref<!tpu.dma_semaphore, #tpu.memory_space<semaphore_mem>>) {add = true}
              %dma_wait3A_122 = arith.constant 0 : i32
              %dma_wait3A_123 = tpu.memref_slice %arg8[%while3A_86, %dma_wait3A_122] : memref<8x128xi32, #tpu.memory_space<vmem>> -> memref<1x128xi32, #tpu.memory_space<vmem>>
              %dma_wait3A_124 = tpu.memref_squeeze %dma_wait3A_123 : memref<1x128xi32, #tpu.memory_space<vmem>> -> memref<128xi32, #tpu.memory_space<vmem>>
              %dma_wait3A_125 = arith.constant 0 : i32
              %dma_wait3A_126 = arith.constant 0 : i32
              %dma_wait3A_127 = tpu.memref_slice %arg7[%dma_wait3A_125, %dma_wait3A_126] : memref<10000x128xf32, #tpu.memory_space<vmem_shared>> -> memref<10000x128xf32, #tpu.memory_space<vmem_shared>>
              tpu.wait_indirect_dma semaphore(%run_scoped3A : memref<!tpu.dma_semaphore, #tpu.memory_space<semaphore_mem>>) src(%arg9 : memref<128x128xf32, #tpu.memory_space<vmem>>) dst(%dma_wait3A_127 : memref<10000x128xf32, #tpu.memory_space<vmem_shared>>)
              tpu.yield
            }) : () -> ()
            %add3A_111 = arith.constant 3 : i32
            %add3A_112 = arith.addi %while3A_86, %add3A_111 : i32
            %lt3A = arith.cmpi slt, %add3A_112, %min3A_39 : i32
            %convert_element_type3A_113 = arith.extui %lt3A : i1 to i32
            %cond3A_114 = arith.constant 0 : i32
            %cond3A_115 = arith.cmpi ne, %convert_element_type3A_113, %cond3A_114 : i32
            scf.if %cond3A_115 {
              %add3A_116 = arith.addi %mul3A_14, %mul3A_34 : i32
              %add3A_117 = arith.addi %add3A_116, %while3A_86 : i32
              %add3A_118 = arith.constant 3 : i32
              %add3A_119 = arith.addi %add3A_117, %add3A_118 : i32
              %dma_start3A_120 = arith.constant 0 : i32
              %dma_start3A_121 = arith.constant 0 : i32
              %dma_start3A_122 = tpu.memref_slice %arg2[%add3A_119, %dma_start3A_120, %dma_start3A_121] : memref<2500x128x128xf32, #tpu.memory_space<hbm>> -> memref<1x128x128xf32, #tpu.memory_space<hbm>>
              %dma_start3A_123 = tpu.memref_squeeze %dma_start3A_122 : memref<1x128x128xf32, #tpu.memory_space<hbm>> -> memref<128x128xf32, #tpu.memory_space<hbm>>
              %dma_start3A_124 = arith.constant 0 : i32
              %dma_start3A_125 = arith.constant 0 : i32
              %dma_start3A_126 = tpu.memref_slice %arg2[%add3A_119, %dma_start3A_124, %dma_start3A_125] : memref<2500x128x128xf32, #tpu.memory_space<hbm>> -> memref<1x128x128xf32, #tpu.memory_space<hbm>>
              %dma_start3A_127 = tpu.memref_squeeze %dma_start3A_126 : memref<1x128x128xf32, #tpu.memory_space<hbm>> -> memref<128x128xf32, #tpu.memory_space<hbm>>
              tpu.enqueue_dma source(%dma_start3A_127 : memref<128x128xf32, #tpu.memory_space<hbm>>) target(%arg9 : memref<128x128xf32, #tpu.memory_space<vmem>>) target_semaphore(%arg12 : memref<!tpu.dma_semaphore, #tpu.memory_space<semaphore_mem>>)
            } else {
            }
          } else {
          }
          %eq3A_93 = arith.constant 1 : i32
          %eq3A_94 = arith.cmpi eq, %rem3A_87, %eq3A_93 : i32
          %convert_element_type3A_95 = arith.extui %eq3A_94 : i1 to i32
          %cond3A_96 = arith.constant 0 : i32
          %cond3A_97 = arith.cmpi ne, %convert_element_type3A_95, %cond3A_96 : i32
          scf.if %cond3A_97 {
            %dma_wait3A = arith.constant 0 : i32
            %dma_wait3A_103 = arith.constant 0 : i32
            %dma_wait3A_104 = arith.constant 0 : i32
            %dma_wait3A_105 = tpu.memref_slice %arg2[%dma_wait3A, %dma_wait3A_103, %dma_wait3A_104] : memref<2500x128x128xf32, #tpu.memory_space<hbm>> -> memref<1x128x128xf32, #tpu.memory_space<hbm>>
            %dma_wait3A_106 = tpu.memref_squeeze %dma_wait3A_105 : memref<1x128x128xf32, #tpu.memory_space<hbm>> -> memref<128x128xf32, #tpu.memory_space<hbm>>
            %dma_wait3A_107 = arith.constant 0 : i32
            %dma_wait3A_108 = arith.constant 0 : i32
            %dma_wait3A_109 = tpu.memref_slice %arg2[%dma_wait3A, %dma_wait3A_107, %dma_wait3A_108] : memref<2500x128x128xf32, #tpu.memory_space<hbm>> -> memref<1x128x128xf32, #tpu.memory_space<hbm>>
            %dma_wait3A_110 = tpu.memref_squeeze %dma_wait3A_109 : memref<1x128x128xf32, #tpu.memory_space<hbm>> -> memref<128x128xf32, #tpu.memory_space<hbm>>
            tpu.wait_dma2 semaphore(%arg13 : memref<!tpu.dma_semaphore, #tpu.memory_space<semaphore_mem>>) src(%dma_wait3A_110 : memref<128x128xf32, #tpu.memory_space<hbm>>) dst(%arg10 : memref<128x128xf32, #tpu.memory_space<vmem>>)
            "tpu.region"() ({
              %run_scoped3A = tpu.sem_alloc : memref<!tpu.dma_semaphore, #tpu.memory_space<semaphore_mem>>
              %dma_start3A_116 = arith.constant 0 : i32
              %dma_start3A_117 = tpu.memref_slice %arg8[%while3A_86, %dma_start3A_116] : memref<8x128xi32, #tpu.memory_space<vmem>> -> memref<1x128xi32, #tpu.memory_space<vmem>>
              %dma_start3A_118 = tpu.memref_squeeze %dma_start3A_117 : memref<1x128xi32, #tpu.memory_space<vmem>> -> memref<128xi32, #tpu.memory_space<vmem>>
              %dma_start3A_119 = arith.constant 0 : i32
              %dma_start3A_120 = arith.constant 0 : i32
              %dma_start3A_121 = tpu.memref_slice %arg7[%dma_start3A_119, %dma_start3A_120] : memref<10000x128xf32, #tpu.memory_space<vmem_shared>> -> memref<10000x128xf32, #tpu.memory_space<vmem_shared>>
              tpu.enqueue_indirect_dma source(%arg10 : memref<128x128xf32, #tpu.memory_space<vmem>>) target(%dma_start3A_121 : memref<10000x128xf32, #tpu.memory_space<vmem_shared>>) offsets(%dma_start3A_118 : memref<128xi32, #tpu.memory_space<vmem>>) semaphore(%run_scoped3A : memref<!tpu.dma_semaphore, #tpu.memory_space<semaphore_mem>>) {add = true}
              %dma_wait3A_122 = arith.constant 0 : i32
              %dma_wait3A_123 = tpu.memref_slice %arg8[%while3A_86, %dma_wait3A_122] : memref<8x128xi32, #tpu.memory_space<vmem>> -> memref<1x128xi32, #tpu.memory_space<vmem>>
              %dma_wait3A_124 = tpu.memref_squeeze %dma_wait3A_123 : memref<1x128xi32, #tpu.memory_space<vmem>> -> memref<128xi32, #tpu.memory_space<vmem>>
              %dma_wait3A_125 = arith.constant 0 : i32
              %dma_wait3A_126 = arith.constant 0 : i32
              %dma_wait3A_127 = tpu.memref_slice %arg7[%dma_wait3A_125, %dma_wait3A_126] : memref<10000x128xf32, #tpu.memory_space<vmem_shared>> -> memref<10000x128xf32, #tpu.memory_space<vmem_shared>>
              tpu.wait_indirect_dma semaphore(%run_scoped3A : memref<!tpu.dma_semaphore, #tpu.memory_space<semaphore_mem>>) src(%arg10 : memref<128x128xf32, #tpu.memory_space<vmem>>) dst(%dma_wait3A_127 : memref<10000x128xf32, #tpu.memory_space<vmem_shared>>)
              tpu.yield
            }) : () -> ()
            %add3A_111 = arith.constant 3 : i32
            %add3A_112 = arith.addi %while3A_86, %add3A_111 : i32
            %lt3A = arith.cmpi slt, %add3A_112, %min3A_39 : i32
            %convert_element_type3A_113 = arith.extui %lt3A : i1 to i32
            %cond3A_114 = arith.constant 0 : i32
            %cond3A_115 = arith.cmpi ne, %convert_element_type3A_113, %cond3A_114 : i32
            scf.if %cond3A_115 {
              %add3A_116 = arith.addi %mul3A_14, %mul3A_34 : i32
              %add3A_117 = arith.addi %add3A_116, %while3A_86 : i32
              %add3A_118 = arith.constant 3 : i32
              %add3A_119 = arith.addi %add3A_117, %add3A_118 : i32
              %dma_start3A_120 = arith.constant 0 : i32
              %dma_start3A_121 = arith.constant 0 : i32
              %dma_start3A_122 = tpu.memref_slice %arg2[%add3A_119, %dma_start3A_120, %dma_start3A_121] : memref<2500x128x128xf32, #tpu.memory_space<hbm>> -> memref<1x128x128xf32, #tpu.memory_space<hbm>>
              %dma_start3A_123 = tpu.memref_squeeze %dma_start3A_122 : memref<1x128x128xf32, #tpu.memory_space<hbm>> -> memref<128x128xf32, #tpu.memory_space<hbm>>
              %dma_start3A_124 = arith.constant 0 : i32
              %dma_start3A_125 = arith.constant 0 : i32
              %dma_start3A_126 = tpu.memref_slice %arg2[%add3A_119, %dma_start3A_124, %dma_start3A_125] : memref<2500x128x128xf32, #tpu.memory_space<hbm>> -> memref<1x128x128xf32, #tpu.memory_space<hbm>>
              %dma_start3A_127 = tpu.memref_squeeze %dma_start3A_126 : memref<1x128x128xf32, #tpu.memory_space<hbm>> -> memref<128x128xf32, #tpu.memory_space<hbm>>
              tpu.enqueue_dma source(%dma_start3A_127 : memref<128x128xf32, #tpu.memory_space<hbm>>) target(%arg10 : memref<128x128xf32, #tpu.memory_space<vmem>>) target_semaphore(%arg13 : memref<!tpu.dma_semaphore, #tpu.memory_space<semaphore_mem>>)
            } else {
            }
          } else {
          }
          %eq3A_98 = arith.constant 2 : i32
          %eq3A_99 = arith.cmpi eq, %rem3A_87, %eq3A_98 : i32
          %convert_element_type3A_100 = arith.extui %eq3A_99 : i1 to i32
          %cond3A_101 = arith.constant 0 : i32
          %cond3A_102 = arith.cmpi ne, %convert_element_type3A_100, %cond3A_101 : i32
          scf.if %cond3A_102 {
            %dma_wait3A = arith.constant 0 : i32
            %dma_wait3A_103 = arith.constant 0 : i32
            %dma_wait3A_104 = arith.constant 0 : i32
            %dma_wait3A_105 = tpu.memref_slice %arg2[%dma_wait3A, %dma_wait3A_103, %dma_wait3A_104] : memref<2500x128x128xf32, #tpu.memory_space<hbm>> -> memref<1x128x128xf32, #tpu.memory_space<hbm>>
            %dma_wait3A_106 = tpu.memref_squeeze %dma_wait3A_105 : memref<1x128x128xf32, #tpu.memory_space<hbm>> -> memref<128x128xf32, #tpu.memory_space<hbm>>
            %dma_wait3A_107 = arith.constant 0 : i32
            %dma_wait3A_108 = arith.constant 0 : i32
            %dma_wait3A_109 = tpu.memref_slice %arg2[%dma_wait3A, %dma_wait3A_107, %dma_wait3A_108] : memref<2500x128x128xf32, #tpu.memory_space<hbm>> -> memref<1x128x128xf32, #tpu.memory_space<hbm>>
            %dma_wait3A_110 = tpu.memref_squeeze %dma_wait3A_109 : memref<1x128x128xf32, #tpu.memory_space<hbm>> -> memref<128x128xf32, #tpu.memory_space<hbm>>
            tpu.wait_dma2 semaphore(%arg14 : memref<!tpu.dma_semaphore, #tpu.memory_space<semaphore_mem>>) src(%dma_wait3A_110 : memref<128x128xf32, #tpu.memory_space<hbm>>) dst(%arg11 : memref<128x128xf32, #tpu.memory_space<vmem>>)
            "tpu.region"() ({
              %run_scoped3A = tpu.sem_alloc : memref<!tpu.dma_semaphore, #tpu.memory_space<semaphore_mem>>
              %dma_start3A_116 = arith.constant 0 : i32
              %dma_start3A_117 = tpu.memref_slice %arg8[%while3A_86, %dma_start3A_116] : memref<8x128xi32, #tpu.memory_space<vmem>> -> memref<1x128xi32, #tpu.memory_space<vmem>>
              %dma_start3A_118 = tpu.memref_squeeze %dma_start3A_117 : memref<1x128xi32, #tpu.memory_space<vmem>> -> memref<128xi32, #tpu.memory_space<vmem>>
              %dma_start3A_119 = arith.constant 0 : i32
              %dma_start3A_120 = arith.constant 0 : i32
              %dma_start3A_121 = tpu.memref_slice %arg7[%dma_start3A_119, %dma_start3A_120] : memref<10000x128xf32, #tpu.memory_space<vmem_shared>> -> memref<10000x128xf32, #tpu.memory_space<vmem_shared>>
              tpu.enqueue_indirect_dma source(%arg11 : memref<128x128xf32, #tpu.memory_space<vmem>>) target(%dma_start3A_121 : memref<10000x128xf32, #tpu.memory_space<vmem_shared>>) offsets(%dma_start3A_118 : memref<128xi32, #tpu.memory_space<vmem>>) semaphore(%run_scoped3A : memref<!tpu.dma_semaphore, #tpu.memory_space<semaphore_mem>>) {add = true}
              %dma_wait3A_122 = arith.constant 0 : i32
              %dma_wait3A_123 = tpu.memref_slice %arg8[%while3A_86, %dma_wait3A_122] : memref<8x128xi32, #tpu.memory_space<vmem>> -> memref<1x128xi32, #tpu.memory_space<vmem>>
              %dma_wait3A_124 = tpu.memref_squeeze %dma_wait3A_123 : memref<1x128xi32, #tpu.memory_space<vmem>> -> memref<128xi32, #tpu.memory_space<vmem>>
              %dma_wait3A_125 = arith.constant 0 : i32
              %dma_wait3A_126 = arith.constant 0 : i32
              %dma_wait3A_127 = tpu.memref_slice %arg7[%dma_wait3A_125, %dma_wait3A_126] : memref<10000x128xf32, #tpu.memory_space<vmem_shared>> -> memref<10000x128xf32, #tpu.memory_space<vmem_shared>>
              tpu.wait_indirect_dma semaphore(%run_scoped3A : memref<!tpu.dma_semaphore, #tpu.memory_space<semaphore_mem>>) src(%arg11 : memref<128x128xf32, #tpu.memory_space<vmem>>) dst(%dma_wait3A_127 : memref<10000x128xf32, #tpu.memory_space<vmem_shared>>)
              tpu.yield
            }) : () -> ()
            %add3A_111 = arith.constant 3 : i32
            %add3A_112 = arith.addi %while3A_86, %add3A_111 : i32
            %lt3A = arith.cmpi slt, %add3A_112, %min3A_39 : i32
            %convert_element_type3A_113 = arith.extui %lt3A : i1 to i32
            %cond3A_114 = arith.constant 0 : i32
            %cond3A_115 = arith.cmpi ne, %convert_element_type3A_113, %cond3A_114 : i32
            scf.if %cond3A_115 {
              %add3A_116 = arith.addi %mul3A_14, %mul3A_34 : i32
              %add3A_117 = arith.addi %add3A_116, %while3A_86 : i32
              %add3A_118 = arith.constant 3 : i32
              %add3A_119 = arith.addi %add3A_117, %add3A_118 : i32
              %dma_start3A_120 = arith.constant 0 : i32
              %dma_start3A_121 = arith.constant 0 : i32
              %dma_start3A_122 = tpu.memref_slice %arg2[%add3A_119, %dma_start3A_120, %dma_start3A_121] : memref<2500x128x128xf32, #tpu.memory_space<hbm>> -> memref<1x128x128xf32, #tpu.memory_space<hbm>>
              %dma_start3A_123 = tpu.memref_squeeze %dma_start3A_122 : memref<1x128x128xf32, #tpu.memory_space<hbm>> -> memref<128x128xf32, #tpu.memory_space<hbm>>
              %dma_start3A_124 = arith.constant 0 : i32
              %dma_start3A_125 = arith.constant 0 : i32
              %dma_start3A_126 = tpu.memref_slice %arg2[%add3A_119, %dma_start3A_124, %dma_start3A_125] : memref<2500x128x128xf32, #tpu.memory_space<hbm>> -> memref<1x128x128xf32, #tpu.memory_space<hbm>>
              %dma_start3A_127 = tpu.memref_squeeze %dma_start3A_126 : memref<1x128x128xf32, #tpu.memory_space<hbm>> -> memref<128x128xf32, #tpu.memory_space<hbm>>
              tpu.enqueue_dma source(%dma_start3A_127 : memref<128x128xf32, #tpu.memory_space<hbm>>) target(%arg11 : memref<128x128xf32, #tpu.memory_space<vmem>>) target_semaphore(%arg14 : memref<!tpu.dma_semaphore, #tpu.memory_space<semaphore_mem>>)
            } else {
            }
          } else {
          }
        }
      } else {
      }
    }
    %scan3A_21 = arith.constant 10 : i32
    %barrier3A_22 = arith.constant 0 : index
    tpu.barrier barrier_id(%barrier3A_22)
    %mul3A_23 = arith.constant 632 : i32
    %mul3A_24 = arith.muli %arg1, %mul3A_23 : i32
    %eq3A = arith.constant 0 : i32
    %eq3A_25 = arith.cmpi eq, %arg0, %eq3A : i32
    %convert_element_type3A = arith.extui %eq3A_25 : i1 to i32
    %cond3A = arith.constant 0 : i32
    %cond3A_26 = arith.cmpi ne, %convert_element_type3A, %cond3A : i32
    scf.if %cond3A_26 {
      %add3A_32 = arith.constant 0 : i32
      %add3A_33 = arith.addi %mul3A_24, %add3A_32 : i32
      %add3A_34 = arith.constant 0 : i32
      %add3A_35 = arith.addi %mul3A_24, %add3A_34 : i32
      "tpu.region"() ({
        %run_scoped3A = tpu.sem_alloc : memref<!tpu.dma_semaphore, #tpu.memory_space<semaphore_mem>>
        %dma_start3A = arith.constant 0 : i32
        %dma_start3A_57 = tpu.memref_slice %arg5[%add3A_35, %dma_start3A] : memref<10000x128xf32, #tpu.memory_space<hbm>> -> memref<128x128xf32, #tpu.memory_space<hbm>>
        %dma_start3A_58 = arith.constant 0 : i32
        %dma_start3A_59 = tpu.memref_slice %arg7[%add3A_33, %dma_start3A_58] : memref<10000x128xf32, #tpu.memory_space<vmem_shared>> -> memref<128x128xf32, #tpu.memory_space<vmem_shared>>
        tpu.enqueue_dma source(%dma_start3A_59 : memref<128x128xf32, #tpu.memory_space<vmem_shared>>) target(%dma_start3A_57 : memref<128x128xf32, #tpu.memory_space<hbm>>) target_semaphore(%run_scoped3A : memref<!tpu.dma_semaphore, #tpu.memory_space<semaphore_mem>>)
        %dma_wait3A = arith.constant 0 : i32
        %dma_wait3A_60 = tpu.memref_slice %arg5[%add3A_35, %dma_wait3A] : memref<10000x128xf32, #tpu.memory_space<hbm>> -> memref<128x128xf32, #tpu.memory_space<hbm>>
        %dma_wait3A_61 = arith.constant 0 : i32
        %dma_wait3A_62 = tpu.memref_slice %arg7[%add3A_33, %dma_wait3A_61] : memref<10000x128xf32, #tpu.memory_space<vmem_shared>> -> memref<128x128xf32, #tpu.memory_space<vmem_shared>>
        tpu.wait_dma2 semaphore(%run_scoped3A : memref<!tpu.dma_semaphore, #tpu.memory_space<semaphore_mem>>) src(%dma_wait3A_62 : memref<128x128xf32, #tpu.memory_space<vmem_shared>>) dst(%dma_wait3A_60 : memref<128x128xf32, #tpu.memory_space<hbm>>)
        tpu.yield
      }) : () -> ()
      %add3A_36 = arith.constant 128 : i32
      %add3A_37 = arith.addi %mul3A_24, %add3A_36 : i32
      %add3A_38 = arith.constant 128 : i32
      %add3A_39 = arith.addi %mul3A_24, %add3A_38 : i32
      "tpu.region"() ({
        %run_scoped3A = tpu.sem_alloc : memref<!tpu.dma_semaphore, #tpu.memory_space<semaphore_mem>>
        %dma_start3A = arith.constant 0 : i32
        %dma_start3A_57 = tpu.memref_slice %arg5[%add3A_39, %dma_start3A] : memref<10000x128xf32, #tpu.memory_space<hbm>> -> memref<128x128xf32, #tpu.memory_space<hbm>>
        %dma_start3A_58 = arith.constant 0 : i32
        %dma_start3A_59 = tpu.memref_slice %arg7[%add3A_37, %dma_start3A_58] : memref<10000x128xf32, #tpu.memory_space<vmem_shared>> -> memref<128x128xf32, #tpu.memory_space<vmem_shared>>
        tpu.enqueue_dma source(%dma_start3A_59 : memref<128x128xf32, #tpu.memory_space<vmem_shared>>) target(%dma_start3A_57 : memref<128x128xf32, #tpu.memory_space<hbm>>) target_semaphore(%run_scoped3A : memref<!tpu.dma_semaphore, #tpu.memory_space<semaphore_mem>>)
        %dma_wait3A = arith.constant 0 : i32
        %dma_wait3A_60 = tpu.memref_slice %arg5[%add3A_39, %dma_wait3A] : memref<10000x128xf32, #tpu.memory_space<hbm>> -> memref<128x128xf32, #tpu.memory_space<hbm>>
        %dma_wait3A_61 = arith.constant 0 : i32
        %dma_wait3A_62 = tpu.memref_slice %arg7[%add3A_37, %dma_wait3A_61] : memref<10000x128xf32, #tpu.memory_space<vmem_shared>> -> memref<128x128xf32, #tpu.memory_space<vmem_shared>>
        tpu.wait_dma2 semaphore(%run_scoped3A : memref<!tpu.dma_semaphore, #tpu.memory_space<semaphore_mem>>) src(%dma_wait3A_62 : memref<128x128xf32, #tpu.memory_space<vmem_shared>>) dst(%dma_wait3A_60 : memref<128x128xf32, #tpu.memory_space<hbm>>)
        tpu.yield
      }) : () -> ()
      %add3A_40 = arith.constant 256 : i32
      %add3A_41 = arith.addi %mul3A_24, %add3A_40 : i32
      %add3A_42 = arith.constant 256 : i32
      %add3A_43 = arith.addi %mul3A_24, %add3A_42 : i32
      "tpu.region"() ({
        %run_scoped3A = tpu.sem_alloc : memref<!tpu.dma_semaphore, #tpu.memory_space<semaphore_mem>>
        %dma_start3A = arith.constant 0 : i32
        %dma_start3A_57 = tpu.memref_slice %arg5[%add3A_43, %dma_start3A] : memref<10000x128xf32, #tpu.memory_space<hbm>> -> memref<128x128xf32, #tpu.memory_space<hbm>>
        %dma_start3A_58 = arith.constant 0 : i32
        %dma_start3A_59 = tpu.memref_slice %arg7[%add3A_41, %dma_start3A_58] : memref<10000x128xf32, #tpu.memory_space<vmem_shared>> -> memref<128x128xf32, #tpu.memory_space<vmem_shared>>
        tpu.enqueue_dma source(%dma_start3A_59 : memref<128x128xf32, #tpu.memory_space<vmem_shared>>) target(%dma_start3A_57 : memref<128x128xf32, #tpu.memory_space<hbm>>) target_semaphore(%run_scoped3A : memref<!tpu.dma_semaphore, #tpu.memory_space<semaphore_mem>>)
        %dma_wait3A = arith.constant 0 : i32
        %dma_wait3A_60 = tpu.memref_slice %arg5[%add3A_43, %dma_wait3A] : memref<10000x128xf32, #tpu.memory_space<hbm>> -> memref<128x128xf32, #tpu.memory_space<hbm>>
        %dma_wait3A_61 = arith.constant 0 : i32
        %dma_wait3A_62 = tpu.memref_slice %arg7[%add3A_41, %dma_wait3A_61] : memref<10000x128xf32, #tpu.memory_space<vmem_shared>> -> memref<128x128xf32, #tpu.memory_space<vmem_shared>>
        tpu.wait_dma2 semaphore(%run_scoped3A : memref<!tpu.dma_semaphore, #tpu.memory_space<semaphore_mem>>) src(%dma_wait3A_62 : memref<128x128xf32, #tpu.memory_space<vmem_shared>>) dst(%dma_wait3A_60 : memref<128x128xf32, #tpu.memory_space<hbm>>)
        tpu.yield
      }) : () -> ()
      %add3A_44 = arith.constant 384 : i32
      %add3A_45 = arith.addi %mul3A_24, %add3A_44 : i32
      %add3A_46 = arith.constant 384 : i32
      %add3A_47 = arith.addi %mul3A_24, %add3A_46 : i32
      "tpu.region"() ({
        %run_scoped3A = tpu.sem_alloc : memref<!tpu.dma_semaphore, #tpu.memory_space<semaphore_mem>>
        %dma_start3A = arith.constant 0 : i32
        %dma_start3A_57 = tpu.memref_slice %arg5[%add3A_47, %dma_start3A] : memref<10000x128xf32, #tpu.memory_space<hbm>> -> memref<128x128xf32, #tpu.memory_space<hbm>>
        %dma_start3A_58 = arith.constant 0 : i32
        %dma_start3A_59 = tpu.memref_slice %arg7[%add3A_45, %dma_start3A_58] : memref<10000x128xf32, #tpu.memory_space<vmem_shared>> -> memref<128x128xf32, #tpu.memory_space<vmem_shared>>
        tpu.enqueue_dma source(%dma_start3A_59 : memref<128x128xf32, #tpu.memory_space<vmem_shared>>) target(%dma_start3A_57 : memref<128x128xf32, #tpu.memory_space<hbm>>) target_semaphore(%run_scoped3A : memref<!tpu.dma_semaphore, #tpu.memory_space<semaphore_mem>>)
        %dma_wait3A = arith.constant 0 : i32
        %dma_wait3A_60 = tpu.memref_slice %arg5[%add3A_47, %dma_wait3A] : memref<10000x128xf32, #tpu.memory_space<hbm>> -> memref<128x128xf32, #tpu.memory_space<hbm>>
        %dma_wait3A_61 = arith.constant 0 : i32
        %dma_wait3A_62 = tpu.memref_slice %arg7[%add3A_45, %dma_wait3A_61] : memref<10000x128xf32, #tpu.memory_space<vmem_shared>> -> memref<128x128xf32, #tpu.memory_space<vmem_shared>>
        tpu.wait_dma2 semaphore(%run_scoped3A : memref<!tpu.dma_semaphore, #tpu.memory_space<semaphore_mem>>) src(%dma_wait3A_62 : memref<128x128xf32, #tpu.memory_space<vmem_shared>>) dst(%dma_wait3A_60 : memref<128x128xf32, #tpu.memory_space<hbm>>)
        tpu.yield
      }) : () -> ()
      %lt3A = arith.constant 15 : i32
      %lt3A_48 = arith.cmpi slt, %arg1, %lt3A : i32
      %convert_element_type3A_49 = arith.extui %lt3A_48 : i1 to i32
      %cond3A_50 = arith.constant 0 : i32
      %cond3A_51 = arith.cmpi ne, %convert_element_type3A_49, %cond3A_50 : i32
      scf.if %cond3A_51 {
        %add3A_57 = arith.constant 512 : i32
        %add3A_58 = arith.addi %mul3A_24, %add3A_57 : i32
        %add3A_59 = arith.constant 512 : i32
        %add3A_60 = arith.addi %mul3A_24, %add3A_59 : i32
        "tpu.region"() ({
          %run_scoped3A = tpu.sem_alloc : memref<!tpu.dma_semaphore, #tpu.memory_space<semaphore_mem>>
          %dma_start3A = arith.constant 0 : i32
          %dma_start3A_61 = tpu.memref_slice %arg5[%add3A_60, %dma_start3A] : memref<10000x128xf32, #tpu.memory_space<hbm>> -> memref<120x128xf32, #tpu.memory_space<hbm>>
          %dma_start3A_62 = arith.constant 0 : i32
          %dma_start3A_63 = tpu.memref_slice %arg7[%add3A_58, %dma_start3A_62] : memref<10000x128xf32, #tpu.memory_space<vmem_shared>> -> memref<120x128xf32, #tpu.memory_space<vmem_shared>>
          tpu.enqueue_dma source(%dma_start3A_63 : memref<120x128xf32, #tpu.memory_space<vmem_shared>>) target(%dma_start3A_61 : memref<120x128xf32, #tpu.memory_space<hbm>>) target_semaphore(%run_scoped3A : memref<!tpu.dma_semaphore, #tpu.memory_space<semaphore_mem>>)
          %dma_wait3A = arith.constant 0 : i32
          %dma_wait3A_64 = tpu.memref_slice %arg5[%add3A_60, %dma_wait3A] : memref<10000x128xf32, #tpu.memory_space<hbm>> -> memref<120x128xf32, #tpu.memory_space<hbm>>
          %dma_wait3A_65 = arith.constant 0 : i32
          %dma_wait3A_66 = tpu.memref_slice %arg7[%add3A_58, %dma_wait3A_65] : memref<10000x128xf32, #tpu.memory_space<vmem_shared>> -> memref<120x128xf32, #tpu.memory_space<vmem_shared>>
          tpu.wait_dma2 semaphore(%run_scoped3A : memref<!tpu.dma_semaphore, #tpu.memory_space<semaphore_mem>>) src(%dma_wait3A_66 : memref<120x128xf32, #tpu.memory_space<vmem_shared>>) dst(%dma_wait3A_64 : memref<120x128xf32, #tpu.memory_space<hbm>>)
          tpu.yield
        }) : () -> ()
      } else {
      }
      %eq3A_52 = arith.constant 15 : i32
      %eq3A_53 = arith.cmpi eq, %arg1, %eq3A_52 : i32
      %convert_element_type3A_54 = arith.extui %eq3A_53 : i1 to i32
      %cond3A_55 = arith.constant 0 : i32
      %cond3A_56 = arith.cmpi ne, %convert_element_type3A_54, %cond3A_55 : i32
      scf.if %cond3A_56 {
        %add3A_57 = arith.constant 512 : i32
        %add3A_58 = arith.addi %mul3A_24, %add3A_57 : i32
        %add3A_59 = arith.constant 512 : i32
        %add3A_60 = arith.addi %mul3A_24, %add3A_59 : i32
        "tpu.region"() ({
          %run_scoped3A = tpu.sem_alloc : memref<!tpu.dma_semaphore, #tpu.memory_space<semaphore_mem>>
          %dma_start3A = arith.constant 0 : i32
          %dma_start3A_61 = tpu.memref_slice %arg5[%add3A_60, %dma_start3A] : memref<10000x128xf32, #tpu.memory_space<hbm>> -> memref<8x128xf32, #tpu.memory_space<hbm>>
          %dma_start3A_62 = arith.constant 0 : i32
          %dma_start3A_63 = tpu.memref_slice %arg7[%add3A_58, %dma_start3A_62] : memref<10000x128xf32, #tpu.memory_space<vmem_shared>> -> memref<8x128xf32, #tpu.memory_space<vmem_shared>>
          tpu.enqueue_dma source(%dma_start3A_63 : memref<8x128xf32, #tpu.memory_space<vmem_shared>>) target(%dma_start3A_61 : memref<8x128xf32, #tpu.memory_space<hbm>>) target_semaphore(%run_scoped3A : memref<!tpu.dma_semaphore, #tpu.memory_space<semaphore_mem>>)
          %dma_wait3A = arith.constant 0 : i32
          %dma_wait3A_64 = tpu.memref_slice %arg5[%add3A_60, %dma_wait3A] : memref<10000x128xf32, #tpu.memory_space<hbm>> -> memref<8x128xf32, #tpu.memory_space<hbm>>
          %dma_wait3A_65 = arith.constant 0 : i32
          %dma_wait3A_66 = tpu.memref_slice %arg7[%add3A_58, %dma_wait3A_65] : memref<10000x128xf32, #tpu.memory_space<vmem_shared>> -> memref<8x128xf32, #tpu.memory_space<vmem_shared>>
          tpu.wait_dma2 semaphore(%run_scoped3A : memref<!tpu.dma_semaphore, #tpu.memory_space<semaphore_mem>>) src(%dma_wait3A_66 : memref<8x128xf32, #tpu.memory_space<vmem_shared>>) dst(%dma_wait3A_64 : memref<8x128xf32, #tpu.memory_space<hbm>>)
          tpu.yield
        }) : () -> ()
      } else {
      }
    } else {
    }
    %eq3A_27 = arith.constant 1 : i32
    %eq3A_28 = arith.cmpi eq, %arg0, %eq3A_27 : i32
    %convert_element_type3A_29 = arith.extui %eq3A_28 : i1 to i32
    %cond3A_30 = arith.constant 0 : i32
    %cond3A_31 = arith.cmpi ne, %convert_element_type3A_29, %cond3A_30 : i32
    scf.if %cond3A_31 {
      %add3A_32 = arith.constant 0 : i32
      %add3A_33 = arith.addi %mul3A_24, %add3A_32 : i32
      %add3A_34 = arith.constant 0 : i32
      %add3A_35 = arith.addi %mul3A_24, %add3A_34 : i32
      "tpu.region"() ({
        %run_scoped3A = tpu.sem_alloc : memref<!tpu.dma_semaphore, #tpu.memory_space<semaphore_mem>>
        %dma_start3A = arith.constant 0 : i32
        %dma_start3A_57 = tpu.memref_slice %arg6[%add3A_35, %dma_start3A] : memref<10000x128xf32, #tpu.memory_space<hbm>> -> memref<128x128xf32, #tpu.memory_space<hbm>>
        %dma_start3A_58 = arith.constant 0 : i32
        %dma_start3A_59 = tpu.memref_slice %arg7[%add3A_33, %dma_start3A_58] : memref<10000x128xf32, #tpu.memory_space<vmem_shared>> -> memref<128x128xf32, #tpu.memory_space<vmem_shared>>
        tpu.enqueue_dma source(%dma_start3A_59 : memref<128x128xf32, #tpu.memory_space<vmem_shared>>) target(%dma_start3A_57 : memref<128x128xf32, #tpu.memory_space<hbm>>) target_semaphore(%run_scoped3A : memref<!tpu.dma_semaphore, #tpu.memory_space<semaphore_mem>>)
        %dma_wait3A = arith.constant 0 : i32
        %dma_wait3A_60 = tpu.memref_slice %arg6[%add3A_35, %dma_wait3A] : memref<10000x128xf32, #tpu.memory_space<hbm>> -> memref<128x128xf32, #tpu.memory_space<hbm>>
        %dma_wait3A_61 = arith.constant 0 : i32
        %dma_wait3A_62 = tpu.memref_slice %arg7[%add3A_33, %dma_wait3A_61] : memref<10000x128xf32, #tpu.memory_space<vmem_shared>> -> memref<128x128xf32, #tpu.memory_space<vmem_shared>>
        tpu.wait_dma2 semaphore(%run_scoped3A : memref<!tpu.dma_semaphore, #tpu.memory_space<semaphore_mem>>) src(%dma_wait3A_62 : memref<128x128xf32, #tpu.memory_space<vmem_shared>>) dst(%dma_wait3A_60 : memref<128x128xf32, #tpu.memory_space<hbm>>)
        tpu.yield
      }) : () -> ()
      %add3A_36 = arith.constant 128 : i32
      %add3A_37 = arith.addi %mul3A_24, %add3A_36 : i32
      %add3A_38 = arith.constant 128 : i32
      %add3A_39 = arith.addi %mul3A_24, %add3A_38 : i32
      "tpu.region"() ({
        %run_scoped3A = tpu.sem_alloc : memref<!tpu.dma_semaphore, #tpu.memory_space<semaphore_mem>>
        %dma_start3A = arith.constant 0 : i32
        %dma_start3A_57 = tpu.memref_slice %arg6[%add3A_39, %dma_start3A] : memref<10000x128xf32, #tpu.memory_space<hbm>> -> memref<128x128xf32, #tpu.memory_space<hbm>>
        %dma_start3A_58 = arith.constant 0 : i32
        %dma_start3A_59 = tpu.memref_slice %arg7[%add3A_37, %dma_start3A_58] : memref<10000x128xf32, #tpu.memory_space<vmem_shared>> -> memref<128x128xf32, #tpu.memory_space<vmem_shared>>
        tpu.enqueue_dma source(%dma_start3A_59 : memref<128x128xf32, #tpu.memory_space<vmem_shared>>) target(%dma_start3A_57 : memref<128x128xf32, #tpu.memory_space<hbm>>) target_semaphore(%run_scoped3A : memref<!tpu.dma_semaphore, #tpu.memory_space<semaphore_mem>>)
        %dma_wait3A = arith.constant 0 : i32
        %dma_wait3A_60 = tpu.memref_slice %arg6[%add3A_39, %dma_wait3A] : memref<10000x128xf32, #tpu.memory_space<hbm>> -> memref<128x128xf32, #tpu.memory_space<hbm>>
        %dma_wait3A_61 = arith.constant 0 : i32
        %dma_wait3A_62 = tpu.memref_slice %arg7[%add3A_37, %dma_wait3A_61] : memref<10000x128xf32, #tpu.memory_space<vmem_shared>> -> memref<128x128xf32, #tpu.memory_space<vmem_shared>>
        tpu.wait_dma2 semaphore(%run_scoped3A : memref<!tpu.dma_semaphore, #tpu.memory_space<semaphore_mem>>) src(%dma_wait3A_62 : memref<128x128xf32, #tpu.memory_space<vmem_shared>>) dst(%dma_wait3A_60 : memref<128x128xf32, #tpu.memory_space<hbm>>)
        tpu.yield
      }) : () -> ()
      %add3A_40 = arith.constant 256 : i32
      %add3A_41 = arith.addi %mul3A_24, %add3A_40 : i32
      %add3A_42 = arith.constant 256 : i32
      %add3A_43 = arith.addi %mul3A_24, %add3A_42 : i32
      "tpu.region"() ({
        %run_scoped3A = tpu.sem_alloc : memref<!tpu.dma_semaphore, #tpu.memory_space<semaphore_mem>>
        %dma_start3A = arith.constant 0 : i32
        %dma_start3A_57 = tpu.memref_slice %arg6[%add3A_43, %dma_start3A] : memref<10000x128xf32, #tpu.memory_space<hbm>> -> memref<128x128xf32, #tpu.memory_space<hbm>>
        %dma_start3A_58 = arith.constant 0 : i32
        %dma_start3A_59 = tpu.memref_slice %arg7[%add3A_41, %dma_start3A_58] : memref<10000x128xf32, #tpu.memory_space<vmem_shared>> -> memref<128x128xf32, #tpu.memory_space<vmem_shared>>
        tpu.enqueue_dma source(%dma_start3A_59 : memref<128x128xf32, #tpu.memory_space<vmem_shared>>) target(%dma_start3A_57 : memref<128x128xf32, #tpu.memory_space<hbm>>) target_semaphore(%run_scoped3A : memref<!tpu.dma_semaphore, #tpu.memory_space<semaphore_mem>>)
        %dma_wait3A = arith.constant 0 : i32
        %dma_wait3A_60 = tpu.memref_slice %arg6[%add3A_43, %dma_wait3A] : memref<10000x128xf32, #tpu.memory_space<hbm>> -> memref<128x128xf32, #tpu.memory_space<hbm>>
        %dma_wait3A_61 = arith.constant 0 : i32
        %dma_wait3A_62 = tpu.memref_slice %arg7[%add3A_41, %dma_wait3A_61] : memref<10000x128xf32, #tpu.memory_space<vmem_shared>> -> memref<128x128xf32, #tpu.memory_space<vmem_shared>>
        tpu.wait_dma2 semaphore(%run_scoped3A : memref<!tpu.dma_semaphore, #tpu.memory_space<semaphore_mem>>) src(%dma_wait3A_62 : memref<128x128xf32, #tpu.memory_space<vmem_shared>>) dst(%dma_wait3A_60 : memref<128x128xf32, #tpu.memory_space<hbm>>)
        tpu.yield
      }) : () -> ()
      %add3A_44 = arith.constant 384 : i32
      %add3A_45 = arith.addi %mul3A_24, %add3A_44 : i32
      %add3A_46 = arith.constant 384 : i32
      %add3A_47 = arith.addi %mul3A_24, %add3A_46 : i32
      "tpu.region"() ({
        %run_scoped3A = tpu.sem_alloc : memref<!tpu.dma_semaphore, #tpu.memory_space<semaphore_mem>>
        %dma_start3A = arith.constant 0 : i32
        %dma_start3A_57 = tpu.memref_slice %arg6[%add3A_47, %dma_start3A] : memref<10000x128xf32, #tpu.memory_space<hbm>> -> memref<128x128xf32, #tpu.memory_space<hbm>>
        %dma_start3A_58 = arith.constant 0 : i32
        %dma_start3A_59 = tpu.memref_slice %arg7[%add3A_45, %dma_start3A_58] : memref<10000x128xf32, #tpu.memory_space<vmem_shared>> -> memref<128x128xf32, #tpu.memory_space<vmem_shared>>
        tpu.enqueue_dma source(%dma_start3A_59 : memref<128x128xf32, #tpu.memory_space<vmem_shared>>) target(%dma_start3A_57 : memref<128x128xf32, #tpu.memory_space<hbm>>) target_semaphore(%run_scoped3A : memref<!tpu.dma_semaphore, #tpu.memory_space<semaphore_mem>>)
        %dma_wait3A = arith.constant 0 : i32
        %dma_wait3A_60 = tpu.memref_slice %arg6[%add3A_47, %dma_wait3A] : memref<10000x128xf32, #tpu.memory_space<hbm>> -> memref<128x128xf32, #tpu.memory_space<hbm>>
        %dma_wait3A_61 = arith.constant 0 : i32
        %dma_wait3A_62 = tpu.memref_slice %arg7[%add3A_45, %dma_wait3A_61] : memref<10000x128xf32, #tpu.memory_space<vmem_shared>> -> memref<128x128xf32, #tpu.memory_space<vmem_shared>>
        tpu.wait_dma2 semaphore(%run_scoped3A : memref<!tpu.dma_semaphore, #tpu.memory_space<semaphore_mem>>) src(%dma_wait3A_62 : memref<128x128xf32, #tpu.memory_space<vmem_shared>>) dst(%dma_wait3A_60 : memref<128x128xf32, #tpu.memory_space<hbm>>)
        tpu.yield
      }) : () -> ()
      %lt3A = arith.constant 15 : i32
      %lt3A_48 = arith.cmpi slt, %arg1, %lt3A : i32
      %convert_element_type3A_49 = arith.extui %lt3A_48 : i1 to i32
      %cond3A_50 = arith.constant 0 : i32
      %cond3A_51 = arith.cmpi ne, %convert_element_type3A_49, %cond3A_50 : i32
      scf.if %cond3A_51 {
        %add3A_57 = arith.constant 512 : i32
        %add3A_58 = arith.addi %mul3A_24, %add3A_57 : i32
        %add3A_59 = arith.constant 512 : i32
        %add3A_60 = arith.addi %mul3A_24, %add3A_59 : i32
        "tpu.region"() ({
          %run_scoped3A = tpu.sem_alloc : memref<!tpu.dma_semaphore, #tpu.memory_space<semaphore_mem>>
          %dma_start3A = arith.constant 0 : i32
          %dma_start3A_61 = tpu.memref_slice %arg6[%add3A_60, %dma_start3A] : memref<10000x128xf32, #tpu.memory_space<hbm>> -> memref<120x128xf32, #tpu.memory_space<hbm>>
          %dma_start3A_62 = arith.constant 0 : i32
          %dma_start3A_63 = tpu.memref_slice %arg7[%add3A_58, %dma_start3A_62] : memref<10000x128xf32, #tpu.memory_space<vmem_shared>> -> memref<120x128xf32, #tpu.memory_space<vmem_shared>>
          tpu.enqueue_dma source(%dma_start3A_63 : memref<120x128xf32, #tpu.memory_space<vmem_shared>>) target(%dma_start3A_61 : memref<120x128xf32, #tpu.memory_space<hbm>>) target_semaphore(%run_scoped3A : memref<!tpu.dma_semaphore, #tpu.memory_space<semaphore_mem>>)
          %dma_wait3A = arith.constant 0 : i32
          %dma_wait3A_64 = tpu.memref_slice %arg6[%add3A_60, %dma_wait3A] : memref<10000x128xf32, #tpu.memory_space<hbm>> -> memref<120x128xf32, #tpu.memory_space<hbm>>
          %dma_wait3A_65 = arith.constant 0 : i32
          %dma_wait3A_66 = tpu.memref_slice %arg7[%add3A_58, %dma_wait3A_65] : memref<10000x128xf32, #tpu.memory_space<vmem_shared>> -> memref<120x128xf32, #tpu.memory_space<vmem_shared>>
          tpu.wait_dma2 semaphore(%run_scoped3A : memref<!tpu.dma_semaphore, #tpu.memory_space<semaphore_mem>>) src(%dma_wait3A_66 : memref<120x128xf32, #tpu.memory_space<vmem_shared>>) dst(%dma_wait3A_64 : memref<120x128xf32, #tpu.memory_space<hbm>>)
          tpu.yield
        }) : () -> ()
      } else {
      }
      %eq3A_52 = arith.constant 15 : i32
      %eq3A_53 = arith.cmpi eq, %arg1, %eq3A_52 : i32
      %convert_element_type3A_54 = arith.extui %eq3A_53 : i1 to i32
      %cond3A_55 = arith.constant 0 : i32
      %cond3A_56 = arith.cmpi ne, %convert_element_type3A_54, %cond3A_55 : i32
      scf.if %cond3A_56 {
        %add3A_57 = arith.constant 512 : i32
        %add3A_58 = arith.addi %mul3A_24, %add3A_57 : i32
        %add3A_59 = arith.constant 512 : i32
        %add3A_60 = arith.addi %mul3A_24, %add3A_59 : i32
        "tpu.region"() ({
          %run_scoped3A = tpu.sem_alloc : memref<!tpu.dma_semaphore, #tpu.memory_space<semaphore_mem>>
          %dma_start3A = arith.constant 0 : i32
          %dma_start3A_61 = tpu.memref_slice %arg6[%add3A_60, %dma_start3A] : memref<10000x128xf32, #tpu.memory_space<hbm>> -> memref<8x128xf32, #tpu.memory_space<hbm>>
          %dma_start3A_62 = arith.constant 0 : i32
          %dma_start3A_63 = tpu.memref_slice %arg7[%add3A_58, %dma_start3A_62] : memref<10000x128xf32, #tpu.memory_space<vmem_shared>> -> memref<8x128xf32, #tpu.memory_space<vmem_shared>>
          tpu.enqueue_dma source(%dma_start3A_63 : memref<8x128xf32, #tpu.memory_space<vmem_shared>>) target(%dma_start3A_61 : memref<8x128xf32, #tpu.memory_space<hbm>>) target_semaphore(%run_scoped3A : memref<!tpu.dma_semaphore, #tpu.memory_space<semaphore_mem>>)
          %dma_wait3A = arith.constant 0 : i32
          %dma_wait3A_64 = tpu.memref_slice %arg6[%add3A_60, %dma_wait3A] : memref<10000x128xf32, #tpu.memory_space<hbm>> -> memref<8x128xf32, #tpu.memory_space<hbm>>
          %dma_wait3A_65 = arith.constant 0 : i32
          %dma_wait3A_66 = tpu.memref_slice %arg7[%add3A_58, %dma_wait3A_65] : memref<10000x128xf32, #tpu.memory_space<vmem_shared>> -> memref<8x128xf32, #tpu.memory_space<vmem_shared>>
          tpu.wait_dma2 semaphore(%run_scoped3A : memref<!tpu.dma_semaphore, #tpu.memory_space<semaphore_mem>>) src(%dma_wait3A_66 : memref<8x128xf32, #tpu.memory_space<vmem_shared>>) dst(%dma_wait3A_64 : memref<8x128xf32, #tpu.memory_space<hbm>>)
          tpu.yield
        }) : () -> ()
      } else {
      }
    } else {
    }
    return
  }
}

module attributes {stable_mosaic.version = 14 : i64} {
  func.func @mm(%arg0: i32, %arg1: memref<2000x128xf32, #tpu.memory_space<vmem>>, %arg2: memref<2000x128xf32, #tpu.memory_space<vmem>>, %arg3: memref<128x128xf32, #tpu.memory_space<vmem>>, %arg4: memref<2000x128xf32, #tpu.memory_space<vmem>>) attributes {dimension_semantics = [#tpu.dimension_semantics<arbitrary>], iteration_bounds = array<i64: 5>, scalar_prefetch = 0 : i64, scratch_operands = 0 : i64, tpu.core_type = #tpu.core_type<tc>, window_params = [{transform_indices = @transform_0, window_bounds = array<i64: 2000, 128>}, {transform_indices = @transform_1, window_bounds = array<i64: 2000, 128>}, {pipeline_mode = #tpu.pipeline_mode<synchronous>, transform_indices = @transform_2, window_bounds = array<i64: 128, 128>}, {transform_indices = @transform_3, window_bounds = array<i64: 2000, 128>}]} {
    %get3A = arith.constant 0 : index
    %get3A_0 = arith.constant 0 : index
    %get3A_1 = vector.load %arg1[%get3A, %get3A_0] : memref<2000x128xf32, #tpu.memory_space<vmem>>, vector<2000x128xf32>
    %get3A_2 = arith.constant 0 : index
    %get3A_3 = arith.constant 0 : index
    %get3A_4 = vector.load %arg2[%get3A_2, %get3A_3] : memref<2000x128xf32, #tpu.memory_space<vmem>>, vector<2000x128xf32>
    %add3A = arith.addf %get3A_1, %get3A_4 : vector<2000x128xf32>
    %get3A_5 = arith.constant 0 : index
    %get3A_6 = arith.constant 0 : index
    %get3A_7 = vector.load %arg3[%get3A_5, %get3A_6] : memref<128x128xf32, #tpu.memory_space<vmem>>, vector<128x128xf32>
    %dot_general3A = arith.constant dense<0.000000e+00> : vector<2000x128xf32>
    %dot_general3A_8 = tpu.matmul %add3A, %get3A_7, %dot_general3A {dimension_numbers = #tpu.dot_dimension_numbers<[1], [1], [0], [0], [0, 0, 1, 0], [], []>, transpose_lhs_hint = false} : vector<2000x128xf32>, vector<128x128xf32>, vector<2000x128xf32> -> vector<2000x128xf32>
    %swap3A = arith.constant 0 : index
    %swap3A_9 = arith.constant 0 : index
    %swap3A_10 = vector.load %arg4[%swap3A, %swap3A_9] : memref<2000x128xf32, #tpu.memory_space<vmem>>, vector<2000x128xf32>
    tpu.vector_store %arg4[%swap3A, %swap3A_9], %dot_general3A_8 {strides = array<i32>} : memref<2000x128xf32, #tpu.memory_space<vmem>>, vector<2000x128xf32>,
    return
  }
  func.func @transform_0(%arg0: i32) -> (i32, i32) {
    %c0_i32 = arith.constant 0 : i32
    %c0_i32_0 = arith.constant 0 : i32
    return %arg0, %c0_i32 : i32, i32
  }
  func.func @transform_1(%arg0: i32) -> (i32, i32) {
    %c0_i32 = arith.constant 0 : i32
    %c0_i32_0 = arith.constant 0 : i32
    return %arg0, %c0_i32 : i32, i32
  }
  func.func @transform_2(%arg0: i32) -> (i32, i32) {
    %c0_i32 = arith.constant 0 : i32
    %c0_i32_0 = arith.constant 0 : i32
    %c0_i32_1 = arith.constant 0 : i32
    return %c0_i32, %c0_i32_0 : i32, i32
  }
  func.func @transform_3(%arg0: i32) -> (i32, i32) {
    %c0_i32 = arith.constant 0 : i32
    %c0_i32_0 = arith.constant 0 : i32
    return %arg0, %c0_i32 : i32, i32
  }
}

</mosaic_0001>

<sc_bundles>
// kernel: kernel.4.cloned.1.call-start
scs
__scs_entry_jumppad:
0x0: {  	(pc) =	sbr.rel $0x88, $3  }
0x1: {  	(tag) =	ssettag $0x0;
	lr =	simm.s32 $0x1  }
0x2: {  	[smem:$0x3F9E] =	sst lr;
	_ =	strace $0xD0000000  }
0x3: {  	_ = 	snop  }
0x4: {  	_ = 	snop  }
0x5: {  	_ = 	snop  }
0x6: {  	_ = 	snop  }
0x7: {  	_ = 	snop  }
__scs_overlays_trampoline_lowered:
0x8: {  	[smem:$0x3FAD] =	sst s0  }
0x9: {  	[smem:$0x3FAE] =	sst s1  }
0xa: {  	[smem:$0x3FAF] =	sst s2  }
0xb: {  	[smem:$0x3FB0] =	sst s3  }
0xc: {  	[smem:$0x3FB1] =	sst s4  }
0xd: {  	[smem:$0x3FB2] =	sst s5  }
0xe: {  	[smem:$0x3FB3] =	sst s6  }
0xf: {  	[smem:$0x3FB4] =	sst s7  }
0x10: {  	[smem:$0x3FB5] =	sst s8  }
0x11: {  	[smem:$0x3FB6] =	sst s9;
	s0 =	simm.s32 @!p0 $0x0  }
0x12: {  	s1 =	sld [smem:$0x3F9C];
	s0 =	simm.s32 @p0 $0x1  }
0x13: {  	[smem:$0x3FB7] =	sst s0;
	s0 =	simm.s32 @!p1 $0x0  }
0x14: {  	s2 =	sld [smem:$0x3F9B];
	s0 =	simm.s32 @p1 $0x1  }
0x15: {  	[smem:$0x3FB8] =	sst s0;
	s0 =	simm.s32 @!p2 $0x0  }
0x16: {  	s3 =	sld [smem:$0x3FDB];
	s0 =	simm.s32 @p2 $0x1  }
0x17: {  	s4 =	simm.s32 $0x1BF5;
	[smem:$0x3FBA] =	sst s0  }
0x18: {  	s0 =	sld [smem:$0x3F9D];
	_ =	swait.ge [sflag:s4], $0x0  }
0x19: {  	s7 =	sld [smem:$0x3F9E]  }
0x1a: {  	s8 =	sadd.s32 $0xFFFFE003, lr  }
0x1b: {  	s9 =	sadd.s32 $0xFFFFFEF7, lr;
	s5 =	simm.s32 $0xFFFFFFFF;
	p2 =	slt.u32 s8, $0xFFFFF086  }
0x1c: {  	p1 =	slt.u32 s9, $0xF7A;
	s5 =	simm.s32 @!p2 $0x0  }
0x1d: {  	s5 =	simm.s32 @p1 $0x1;
	p0 =	seq.s32 s7, s2  }
0x1e: {  	s7 =	smul.u32 @!p0 $0xF7A, s2;
	p2 =	seq.s32 @!p0 s5, $0x0  }
0x1f: {  	s9 =	smul.u32 $0xF7A, s1;
	s8 =	simm.s32 @!p0 $0x1BF5;
	p2 =	por !p2, p0  }
0x20: {  	[sflag:s8] =	ssyncset.s32 @!p0 $0xFFFFF086;
	s6 =	sadd.s32 @!p0 s3, s7;
	s7 =	simm.s32 @!p0 $0x108  }
0x21: {  	s3 =	sadd.s32 s3, s9;
	s6 =	sadd.s32 @!p0 $0x88, s6;
	s7 =	simm.s32 @p2 $0x1082  }
0x22: {  	[simem:s7], [sflag:s8] =	dma.local @!p0 [hbm:s6], $0xF7A  }
0x23: {  	s9 =	sor.u32 $0xD0000000, s2;
	s6 =	simm.s32 $0x108;
	_ =	swait.ge @!p0 [sflag:s8], $0x0  }
0x24: {  	s3 =	sadd.s32 $0x88, s3;
	s6 =	simm.s32 @!p1 $0x1082;
	[sflag:s4] =	ssyncset.s32 $0xFFFFF086  }
0x25: {  	[simem:s6], [sflag:s4] =	dma.local [hbm:s3], $0xF7A  }
0x26: {  	[smem:$0x3F9E] =	sst s1;
	(tag) =	ssettag s2;
	_ =	strace s9  }
0x27: {  	s1 =	sld [smem:$0x3FAE]  }
0x28: {  	s2 =	sld [smem:$0x3FAF]  }
0x29: {  	s4 =	sld [smem:$0x3FB1]  }
0x2a: {  	p0 =	seq.s32 s5, $0x0;
	s5 =	sld [smem:$0x3FB2]  }
0x2b: {  	s6 =	sld [smem:$0x3FB3]  }
0x2c: {  	s7 =	sld [smem:$0x3FB4]  }
0x2d: {  	s3 =	simm.s32 $0x108;
	s8 =	sld [smem:$0x3FB5]  }
0x2e: {  	s3 =	simm.s32 @!p0 $0x1082;
	s9 =	sld [smem:$0x3FB6]  }
0x2f: {  	lr =	sadd.s32 s0, s3;
	s0 =	sld [smem:$0x3FAD]  }
0x30: {  	s3 =	sld [smem:$0x3FB0]  }
0x31: {  	[smem:$0x3FB9] =	sst s10  }
0x32: {  	s10 =	sld [smem:$0x3FB7];
	_ =	sdelay $0x3  }
0x33: {  	p0 =	seq.s32 s10, $0x1;
	s10 =	sld [smem:$0x3FB9];
	_ =	sdelay $0x3  }
0x34: {  	[smem:$0x3FB9] =	sst s10  }
0x35: {  	s10 =	sld [smem:$0x3FB8];
	_ =	sdelay $0x3  }
0x36: {  	p1 =	seq.s32 s10, $0x1;
	s10 =	sld [smem:$0x3FB9];
	_ =	sdelay $0x3  }
0x37: {  	[smem:$0x3FB9] =	sst s10  }
0x38: {  	s10 =	sld [smem:$0x3FBA]  }
0x39: {  	_ = 	snop;
	(pc) =	sbr.ind lr, $3  }
0x3a: {  	_ = 	snop  }
0x3b: {  	_ = 	snop  }
0x3c: {  	p2 =	seq.s32 s10, $0x1;
	s10 =	sld [smem:$0x3FB9]  }
0x3d: {  	_ =	shalt  }
0x3e: {  	_ =	shalt  }
0x3f: {  	_ =	shalt  }
0x40: {  	_ =	shalt  }
0x41: {  	_ =	shalt  }
0x42: {  	_ =	shalt  }
0x43: {  	_ =	shalt  }
0x44: {  	_ =	shalt  }
0x45: {  	_ =	shalt  }
0x46: {  	_ =	shalt  }
0x47: {  	_ =	shalt  }
0x48: {  	_ =	shalt  }
0x49: {  	_ =	shalt  }
0x4a: {  	_ =	shalt  }
0x4b: {  	_ =	shalt  }
0x4c: {  	_ =	shalt  }
0x4d: {  	_ =	shalt  }
0x4e: {  	_ =	shalt  }
0x4f: {  	_ =	shalt  }
0x50: {  	_ =	shalt  }
0x51: {  	_ =	shalt  }
0x52: {  	_ =	shalt  }
0x53: {  	_ =	shalt  }
0x54: {  	_ =	shalt  }
0x55: {  	_ =	shalt  }
0x56: {  	_ =	shalt  }
0x57: {  	_ =	shalt  }
0x58: {  	_ =	shalt  }
0x59: {  	_ =	shalt  }
0x5a: {  	_ =	shalt  }
0x5b: {  	_ =	shalt  }
0x5c: {  	_ =	shalt  }
0x5d: {  	_ =	shalt  }
0x5e: {  	_ =	shalt  }
0x5f: {  	_ =	shalt  }
0x60: {  	_ =	shalt  }
0x61: {  	_ =	shalt  }
0x62: {  	_ =	shalt  }
0x63: {  	_ =	shalt  }
0x64: {  	_ =	shalt  }
0x65: {  	_ =	shalt  }
0x66: {  	_ =	shalt  }
0x67: {  	_ =	shalt  }
0x68: {  	_ =	shalt  }
0x69: {  	_ =	shalt  }
0x6a: {  	_ =	shalt  }
0x6b: {  	_ =	shalt  }
0x6c: {  	_ =	shalt  }
0x6d: {  	_ =	shalt  }
0x6e: {  	_ =	shalt  }
0x6f: {  	_ =	shalt  }
0x70: {  	_ =	shalt  }
0x71: {  	_ =	shalt  }
0x72: {  	_ =	shalt  }
0x73: {  	_ =	shalt  }
0x74: {  	_ =	shalt  }
0x75: {  	_ =	shalt  }
0x76: {  	_ =	shalt  }
0x77: {  	_ =	shalt  }
0x78: {  	_ =	shalt  }
0x79: {  	_ =	shalt  }
0x7a: {  	_ =	shalt  }
0x7b: {  	_ =	shalt  }
0x7c: {  	_ =	shalt  }
0x7d: {  	_ =	shalt  }
0x7e: {  	_ =	shalt  }
0x7f: {  	_ =	shalt  }
0x80: {  	_ =	shalt  }
0x81: {  	_ =	shalt  }
0x82: {  	_ =	shalt  }
0x83: {  	_ =	shalt  }
0x84: {  	_ =	shalt  }
0x85: {  	_ =	shalt  }
0x86: {  	_ =	shalt  }
0x87: {  	_ =	shalt  }
.Lfunc_end0:
.L_simem_size_0:
called_computation_lowered:
.L_overlay_start_0:
0x88: {  	s2 =	sld [smem:$0x3FD9]  }
0x89: {  	s3 =	sld [smem:$0x3FFE];
	_ =	sdelay $0x1  }
0x8a: {  	s1 =	srdreg.scid  }
0x8b: {  	s0 =	sand.u32 $0x1, s1  }
0x8c: {  	s17 =	sshll.u32 s0, $0xA;
	s2 =	sadd.s32 s3, s2  }
0x8d: {  	s2 =	sadd.s32 s2, s17  }
0x8e: {  	[smem:$0x3FC5] =	sst s2  }
0x8f: {  	_ = 	snop  }
0x90: {  	s2 =	sld [smem:$0x3FC9]  }
0x91: {  	s18 =	sld [smem:$0x3FD0];
	(tm) =	ssettm $0x1  }
0x92: {  	s4 =	sld [smem:$0x3FFB];
	_ =	sdelay $0x3  }
0x93: {  	_ =	strace s4  }
0x94: {  	s4 =	sld [smem:$0x3FFC];
	_ =	sdelay $0x3  }
0x95: {  	_ =	strace s4  }
0x96: {  	s4 =	sld [smem:$0x3FFD];
	_ =	sdelay $0x3  }
0x97: {  	_ =	strace s4  }
0x98: {  	_ =	strace $0x8FFFFFFF  }
0x99: {  	s19 =	sld [smem:$0x3FDB];
	_ =	sdelay $0x1  }
0x9a: {  	s5 =	simm.s32 $_scs_section_size  }
0x9b: {  	s6 =	simm.s32 $_size__tile_overlayer_lowered;
	s7 =	simm.s32 $_tile_overlayer_lowered  }
0x9c: {  	s22 =	simm.s32 $0x1BFF;
	s21 =	sshll.u32 s7, $0x1;
	s4 =	sadd.s32 s5, s19  }
0x9d: {  	s8 =	simm.s32 $0x0;
	s20 =	sshll.u32 s6, $0x1;
	s6 =	sadd.s32 s21, s4  }
0x9e: {  	[timem:s8], [sflag:s22] =	dma.local [hbm:s6], s20  }
0x9f: {  	_ =	swait.ge [sflag:s22], s20  }
0xa0: {  	s5 =	ssub.s32 $0x0, s20;
	[sflag:s22] =	ssyncset.done $0x0  }
0xa1: {  	[sflag:s22] =	ssyncadd.s32 s5;
	_ =	sdelay $0x1  }
0xa2: {  	s23 =	simm.s32 $0x1B8B  }
0xa3: {  	_ =	swait.ge [sflag:s23], $0x1  }
0xa4: {  	[sflag:s23] =	ssyncset.done $0x0  }
0xa5: {  	s25 =	simm.s32 $0x1B8E;
	s24 =	sld [smem:$0x3FFE];
	[sflag:s23] =	ssyncadd.s32 $0xFFFFFFFF  }
0xa6: {  	s26 =	simm.s32 $execute0_lowered;
	[smem:$0x3FD2] =	sst s25  }
0xa7: {  	s6 =	sshll.u32 s26, $0x1;
	_ =	strace $0x80000046;
	[dreg:$0x1] =	wrdreg $0xFFFFFFFF  }
0xa8: {  	s28 =	simm.s32 $_size_execute0_lowered;
	s4 =	sadd.s32 s4, s6;
	[dreg:$0x0] =	wrdreg $0x0  }
0xa9: {  	s6 =	sshll.u32 s28, $0x1;
	[dreg:$0x2] =	wrdreg s4  }
0xaa: {  	[dreg:$0x3] =	wrdreg s6  }
0xab: {  	[dreg:$0x4] =	wrdreg $0xC0  }
0xac: {  	_ =	task [dreg:s8], $0x5FFFF  }
0xad: {  	[dreg:$0x1] =	wrdreg $0xFFFFFFFF  }
0xae: {  	[dreg:$0x0] =	wrdreg $0x60  }
0xaf: {  	[dreg:$0x2] =	wrdreg s2  }
0xb0: {  	[dreg:$0x3] =	wrdreg s24  }
0xb1: {  	[dreg:$0x4] =	wrdreg s18  }
0xb2: {  	[dreg:$0x5] =	wrdreg $0x0  }
0xb3: {  	[dreg:$0x6] =	wrdreg $0x9  }
0xb4: {  	_ =	task.clear_ibuf [dreg:s8], $0x7FFFF;
	_ =	strace $0x90000046  }
0xb5: {  	s29 =	simm.s32 $0x9;
	_ =	strace $0x80000048  }
0xb6: {  	_ =	swait.ge [sflag:s29], $0x1  }
0xb7: {  	[sflag:s29] =	ssyncadd.s32 $0xFFFFFFFF  }
0xb8: {  	_ =	strace $0x90000048  }
0xb9: {  	_ =	sfence  }
0xba: {  	s30 =	sld [smem:$0x0];
	_ =	sdelay $0x2  }
0xbb: {  	s31 =	sshll.u32 s1, $0xD;
	s1 =	sshrl.u32 s1, $0x2  }
0xbc: {  	s3 =	sand.u32 $0x4000, s31;
	s1 =	sadd.s32 s1, s30  }
0xbd: {  	s0 =	sor.u32 s3, s0;
	s1 =	sshll.u32 s1, $0x11  }
0xbe: {  	s0 =	sor.u32 s1, s0  }
0xbf: {  	s0 =	sadd.s32 $0x8F2B, s0  }
0xc0: {  	[sflag:s0] =	ssyncadd.remote.s32 $0x1  }
0xc1: {  	_ =	sfence.sel $0xFFFF  }
0xc2: {  	[dreg:$0x0] =	wrdreg $0xFFFFFFFF;
	(pc) =	sbr.abs _section_cstart, $3  }
0xc3: {  	[dreg:$0x1] =	wrdreg $0xFFFFFFFF  }
0xc4: {  	_ =	task.clear_ibuf [dreg:s8], $0x2FFFF;
	_ =	strace $0x9FFFFFFF  }
0xc5: {  	(tm) =	ssettm $0x7FFFFFFF  }
tec
execute0_lowered:
.L_overlay_start_1:
0x0: {  	(tag) =	ssettag $0x1  }
0x1: {  	s1 =	rddreg [dreg:$0x0];
	s20 =	stileid.u32  }
0x2: {  	s0 =	rddreg [dreg:$0x1];
	s7 =	smul.u32 $0x4E200, s20  }
0x3: {  	s3 =	rddreg [dreg:$0x2];
	s31 =	smul.u32 $0x278, s20  }
0x4: {  	s2 =	rddreg [dreg:$0x3];
	s10 =	smul.u32 $0x4F000, s20  }
0x5: {  	s4 =	simm.s32 $0x0;
	s30 =	srdreg.scid;
	s11 =	smul.u32 $0x2780, s20  }
0x6: {  	[smem:$0x7FF] =	sst s4;
	s16 =	smul.u32 $0xFFFFFF60, s20  }
0x7: {  	s4 =	sand.u32 $0x1, s30;
	s5 =	sshll.u32 s20, $0x1;
	s18 =	smul.u32 $0x280000, s20  }
0x8: {  	s8 =	sadd.s32 $0xB600, s0;
	s6 =	ssub.s32 $0x2, s4;
	s14 =	smul.u32 $0xFFFFFFB0, s4  }
0x9: {  	s5 =	sor.u32 s4, s5;
	p0 =	seq.s32 s4, $0x1;
	s4 =	smul.u32 $0x140000, s4  }
0xa: {  	_ =	strace $0x80000047;
	s9 =	sshrl.u32 s6, $0x1;
	s5 =	smul.u32 $0x50, s5  }
0xb: {  	s7 =	sshrl.u32 s7, $0x2;
	s12 =	sadd.s32 $0x80, s31;
	s10 =	sshrl.u32 s10, $0x2  }
0xc: {  	s23 =	sadd.s32 s3, s11;
	s24 =	sadd.s32 $0x100, s31;
	s17 =	sadd.s32 $0x180, s31  }
0xd: {  	s11 =	sadd.s32 s8, s11;
	p2 =	seq.s32 @p0 s20, $0xF;
	p4 =	seq.s32 @!p0 s20, $0xF  }
0xe: {  	s20 =	simm.s32 $0x80;
	s6 =	ssub.s32 s6, s9;
	s21 =	sadd.s32 s7, s2  }
0xf: {  	s13 =	sshll.u32 s12, $0x7;
	s10 =	sadd.s32 s10, s2;
	[dreg:$0x7] =	wrdreg s23  }
0x10: {  	s15 =	sshll.u32 s12, $0x4;
	s25 =	sshll.u32 s24, $0x7;
	s16 =	sadd.s32 s16, s14  }
0x11: {  	s26 =	sshll.u32 s17, $0x7;
	s19 =	sshll.u32 s24, $0x4;
	s9 =	sadd.s32 $0x200, s31  }
0x12: {  	s17 =	sshll.u32 s17, $0x4;
	s4 =	sadd.s32 s4, s18;
	[dreg:$0x9] =	wrdreg s11  }
0x13: {  	s24 =	sadd.s32 $0xE00, s0;
	p1 =	por !p2, !p0;
	p2 =	por p2, !p0  }
0x14: {  	p3 =	por !p4, p0;
	p4 =	por p4, p0;
	s11 =	sadd.s32 $0x800, s1  }
0x15: {  	s22 =	ssub.s32 $0x9C4, s5;
	[dreg:$0x6] =	wrdreg s10;
	s10 =	sadd.s32 s13, s2  }
0x16: {  	s12 =	sadd.s32 s3, s15;
	s13 =	sadd.s32 s26, s2;
	[dreg:$0x5] =	wrdreg s21  }
0x17: {  	s28 =	sshll.u32 s9, $0x7;
	s29 =	sadd.s32 s8, s15;
	[dreg:$0x8] =	wrdreg s12  }
0x18: {  	s9 =	sshll.u32 s9, $0x4;
	s30 =	sadd.s32 s3, s19;
	[dreg:$0xa] =	wrdreg s29  }
0x19: {  	s31 =	sadd.s32 s8, s19;
	s15 =	sadd.s32 s3, s17;
	[dreg:$0xb] =	wrdreg s30  }
0x1a: {  	s17 =	sadd.s32 s8, s17;
	s19 =	sadd.s32 $0x9C4, s16;
	[dreg:$0xc] =	wrdreg s31  }
0x1b: {  	s4 =	sor.u32 $0xC000, s4;
	s26 =	smax.u32 s6, $0x1;
	[dreg:$0xd] =	wrdreg s15  }
0x1c: {  	s6 =	simm.s32 $0x13C80;
	s16 =	simm.s32 $0x4;
	[dreg:$0xe] =	wrdreg s17  }
0x1d: {  	s7 =	smin.u32 s22, $0x50;
	s8 =	sadd.s32 s8, s9;
	[dreg:$0x15] =	wrdreg s26  }
0x1e: {  	s12 =	sadd.s32 s25, s2;
	s18 =	sadd.s32 s3, s9;
	[dreg:$0xf] =	wrdreg s8  }
0x1f: {  	s14 =	sadd.s32 s28, s2;
	s3 =	sadd.s32 $0x27080, s3;
	[dreg:$0x10] =	wrdreg s18  }
0x20: {  	s22 =	sadd.s32 $0xAE00, s0;
	s0 =	sadd.s32 $0x32680, s0;
	[dreg:$0x11] =	wrdreg s3  }
0x21: {  	s23 =	smin.u32 s19, $0x50;
	s25 =	sshrl.u32 s4, $0x3;
	[dreg:$0x12] =	wrdreg s22  }
0x22: {  	s28 =	sadd.s32 $0x4000, s21;
	s29 =	sadd.s32 $0x8000, s21;
	[dreg:$0x13] =	wrdreg s0  }
0x23: {  	s30 =	sadd.s32 $0xC000, s21;
	s31 =	sadd.s32 $0x10000, s21;
	[dreg:$0x14] =	wrdreg s23  }
.Ltmp0:
0x24: {  	s15 =	sadd.s32 $0x138400, s2;
	[dreg:$0x17] =	wrdreg s28;
	(pc) =	sbr.rel .LBB2_1-.Ltmp0, $4  }
0x25: {  	s17 =	simm.s32 $0x17C80;
	s19 =	simm.s32 $0x3;
	[dreg:$0x18] =	wrdreg s29  }
0x26: {  	s21 =	simm.s32 $0x2;
	s0 =	sadd.s32 s25, s1;
	[dreg:$0x19] =	wrdreg s30  }
0x27: {  	[dreg:$0x1a] =	wrdreg s31;
	s3 =	sadd.s32 $0x1000, s1;
	s18 =	simm.s32 $0x1BC80  }
0x28: {  	s22 =	simm.s32 $0x1;
	s23 =	simm.s32 $0x0;
	[dreg:$0x16] =	wrdreg s0  }
.LBB2_11:
0x29: {  	s25 =	stileid.u32;
	[bflag:$0x0] =	sbarrier.arrive $0xFFFF  }
0x2a: {  	s0 =	sshll.u32 @p0 s25, $0x6;
	s26 =	rddreg [dreg:$0x6]  }
0x2b: {  	s8 =	rddreg [dreg:$0x9];
	s0 =	sor.u32 @p0 $0x1C04, s0;
	s4 =	sshrl.u32 @p0 s26, $0x3  }
0x2c: {  	[hbm:s8], [sflag:s0] =	dma.local @p0 [spmem:s4], $0x800  }
0x2d: {  	s4 =	simm.s32 @p0 $0x4  }
0x2e: {  	_ =	swait.ge @p0 [sflag:s4], $0x800  }
0x2f: {  	[sflag:s4] =	ssyncset.done @p0 $0x0  }
0x30: {  	s8 =	sshrl.u32 @p0 s10, $0x3;
	s9 =	rddreg [dreg:$0xa];
	[sflag:s4] =	ssyncadd.s32 @p0 $0xFFFFF800  }
0x31: {  	[hbm:s9], [sflag:s0] =	dma.local @p0 [spmem:s8], $0x800  }
0x32: {  	_ =	swait.ge @p0 [sflag:s4], $0x800  }
0x33: {  	[sflag:s4] =	ssyncset.done @p0 $0x0  }
0x34: {  	s8 =	sshrl.u32 @p0 s12, $0x3;
	s9 =	rddreg [dreg:$0xc];
	[sflag:s4] =	ssyncadd.s32 @p0 $0xFFFFF800  }
0x35: {  	[hbm:s9], [sflag:s0] =	dma.local @p0 [spmem:s8], $0x800  }
0x36: {  	_ =	swait.ge @p0 [sflag:s4], $0x800  }
0x37: {  	[sflag:s4] =	ssyncset.done @p0 $0x0  }
0x38: {  	s8 =	sshrl.u32 @p0 s13, $0x3;
	s9 =	rddreg [dreg:$0xe];
	[sflag:s4] =	ssyncadd.s32 @p0 $0xFFFFF800  }
0x39: {  	[hbm:s9], [sflag:s0] =	dma.local @p0 [spmem:s8], $0x800  }
0x3a: {  	_ =	swait.ge @p0 [sflag:s4], $0x800  }
0x3b: {  	[sflag:s4] =	ssyncset.done @p0 $0x0  }
0x3c: {  	s8 =	rddreg [dreg:$0x13];
	[sflag:s4] =	ssyncadd.s32 @p0 $0xFFFFF800;
	s4 =	sshrl.u32 @!p1 s15, $0x3  }
0x3d: {  	[hbm:s8], [sflag:s0] =	dma.local @!p1 [spmem:s4], $0x80  }
0x3e: {  	s4 =	simm.s32 @!p1 $0x4  }
0x3f: {  	_ =	swait.ge @!p1 [sflag:s4], $0x80  }
0x40: {  	[sflag:s4] =	ssyncset.done @!p1 $0x0  }
0x41: {  	s8 =	rddreg [dreg:$0xf];
	[sflag:s4] =	ssyncadd.s32 @!p1 $0xFFFFFF80;
	s4 =	sshrl.u32 @!p2 s14, $0x3  }
0x42: {  	[hbm:s8], [sflag:s0] =	dma.local @!p2 [spmem:s4], $0x780  }
0x43: {  	s0 =	simm.s32 @!p2 $0x4  }
0x44: {  	_ =	swait.ge @!p2 [sflag:s0], $0x780  }
0x45: {  	s4 =	sshll.u32 @!p0 s25, $0x6;
	[sflag:s0] =	ssyncset.done @!p2 $0x0;
	s8 =	rddreg [dreg:$0x7]  }
0x46: {  	[sflag:s0] =	ssyncadd.s32 @!p2 $0xFFFFF880;
	s0 =	sor.u32 @!p0 $0x1C04, s4;
	s4 =	sshrl.u32 @!p0 s26, $0x3  }
0x47: {  	[hbm:s8], [sflag:s0] =	dma.local @!p0 [spmem:s4], $0x800  }
0x48: {  	s4 =	simm.s32 @!p0 $0x4  }
0x49: {  	_ =	swait.ge @!p0 [sflag:s4], $0x800  }
0x4a: {  	[sflag:s4] =	ssyncset.done @!p0 $0x0  }
0x4b: {  	s8 =	sshrl.u32 @!p0 s10, $0x3;
	s25 =	rddreg [dreg:$0x8];
	[sflag:s4] =	ssyncadd.s32 @!p0 $0xFFFFF800  }
0x4c: {  	[hbm:s25], [sflag:s0] =	dma.local @!p0 [spmem:s8], $0x800  }
0x4d: {  	_ =	swait.ge @!p0 [sflag:s4], $0x800  }
0x4e: {  	[sflag:s4] =	ssyncset.done @!p0 $0x0  }
0x4f: {  	s8 =	sshrl.u32 @!p0 s12, $0x3;
	s25 =	rddreg [dreg:$0xb];
	[sflag:s4] =	ssyncadd.s32 @!p0 $0xFFFFF800  }
0x50: {  	[hbm:s25], [sflag:s0] =	dma.local @!p0 [spmem:s8], $0x800  }
0x51: {  	_ =	swait.ge @!p0 [sflag:s4], $0x800  }
0x52: {  	[sflag:s4] =	ssyncset.done @!p0 $0x0  }
0x53: {  	s8 =	sshrl.u32 @!p0 s13, $0x3;
	s25 =	rddreg [dreg:$0xd];
	[sflag:s4] =	ssyncadd.s32 @!p0 $0xFFFFF800  }
0x54: {  	[hbm:s25], [sflag:s0] =	dma.local @!p0 [spmem:s8], $0x800  }
0x55: {  	_ =	swait.ge @!p0 [sflag:s4], $0x800  }
0x56: {  	[sflag:s4] =	ssyncset.done @!p0 $0x0  }
0x57: {  	s8 =	rddreg [dreg:$0x11];
	[sflag:s4] =	ssyncadd.s32 @!p0 $0xFFFFF800;
	s4 =	sshrl.u32 @!p3 s15, $0x3  }
0x58: {  	[hbm:s8], [sflag:s0] =	dma.local @!p3 [spmem:s4], $0x80  }
0x59: {  	s4 =	simm.s32 @!p3 $0x4  }
0x5a: {  	_ =	swait.ge @!p3 [sflag:s4], $0x80  }
0x5b: {  	[sflag:s4] =	ssyncset.done @!p3 $0x0  }
0x5c: {  	s8 =	rddreg [dreg:$0x10];
	[sflag:s4] =	ssyncadd.s32 @!p3 $0xFFFFFF80;
	s4 =	sshrl.u32 @!p4 s14, $0x3  }
0x5d: {  	[hbm:s8], [sflag:s0] =	dma.local @!p4 [spmem:s4], $0x780  }
0x5e: {  	s0 =	simm.s32 @!p4 $0x4  }
0x5f: {  	_ =	swait.ge @!p4 [sflag:s0], $0x780  }
0x60: {  	s23 =	sadd.s32 $0x1, s23;
	s31 =	rddreg [dreg:$0x15]  }
0x61: {  	p5 =	sne.s32 s23, s31  }
.Ltmp1:
0x62: {  	_ = 	snop;
	(pc) =	sbr.rel @!p5 .LBB2_12-.Ltmp1, $3  }
0x63: {  	_ =	sdelay $0x1  }
0x64: {  	[sflag:s0] =	ssyncset.done @!p4 $0x0  }
0x65: {  	s9 =	stileid.u32;
	[sflag:s0] =	ssyncadd.s32 @!p4 $0xFFFFF880  }
.LBB2_1:
0x66: {  	s0 =	simm.s32 $0x0;
	s4 =	rddreg [dreg:$0x12]  }
0x67: {  	[tilespmem:s6], [sflag:$0x4] =	stream.linear.gather [hbm4b:s4+s0], $0x4000, $0x38;
	[tilespmem:$0x1FC80] =	vst v63  }
0x68: {  	_ =	swait.ge [sflag:s16], $0x4000  }
0x69: {  	[sflag:s16] =	ssyncset.done $0x0  }
0x6a: {  	s9 =	rddreg [dreg:$0x5];
	[sflag:s16] =	ssyncadd.s32 $0xFFFFC000  }
0x6b: {  	[spmem:s9] =	stream.linear.scatter [tilespmem:s6], [sflag:$0x4], $0x4000, $0x38;
	[tilespmem:$0x1FC80] =	vst v63  }
0x6c: {  	_ =	swait.ge [sflag:s16], $0x4000  }
0x6d: {  	[sflag:s16] =	ssyncset.done $0x0  }
0x6e: {  	s25 =	rddreg [dreg:$0x17];
	[sflag:s16] =	ssyncadd.s32 $0xFFFFC000  }
0x6f: {  	[spmem:s25] =	stream.linear.scatter [tilespmem:s6], [sflag:$0x4], $0x4000, $0x38;
	[tilespmem:$0x1FC80] =	vst v63  }
0x70: {  	_ =	swait.ge [sflag:s16], $0x4000  }
0x71: {  	[sflag:s16] =	ssyncset.done $0x0  }
0x72: {  	s26 =	rddreg [dreg:$0x18];
	[sflag:s16] =	ssyncadd.s32 $0xFFFFC000  }
0x73: {  	[spmem:s26] =	stream.linear.scatter [tilespmem:s6], [sflag:$0x4], $0x4000, $0x38;
	[tilespmem:$0x1FC80] =	vst v63  }
0x74: {  	_ =	swait.ge [sflag:s16], $0x4000  }
0x75: {  	[sflag:s16] =	ssyncset.done $0x0  }
0x76: {  	s30 =	rddreg [dreg:$0x19];
	[sflag:s16] =	ssyncadd.s32 $0xFFFFC000  }
0x77: {  	[spmem:s30] =	stream.linear.scatter [tilespmem:s6], [sflag:$0x4], $0x4000, $0x38;
	[tilespmem:$0x1FC80] =	vst v63  }
0x78: {  	_ =	swait.ge [sflag:s16], $0x4000  }
0x79: {  	[sflag:s16] =	ssyncset.done $0x0  }
0x7a: {  	s31 =	rddreg [dreg:$0x1a];
	[sflag:s16] =	ssyncadd.s32 $0xFFFFC000  }
0x7b: {  	[spmem:s31] =	stream.linear.scatter [tilespmem:s6], [sflag:$0x4], $0x3880, $0x38;
	[tilespmem:$0x1FC80] =	vst v63  }
0x7c: {  	_ =	swait.ge [sflag:s16], $0x3880  }
.Ltmp2:
0x7d: {  	[sflag:s16] =	ssyncset.done $0x0;
	(pc) =	sbr.rel .LBB2_2-.Ltmp2, $4  }
0x7e: {  	[sflag:s16] =	ssyncadd.s32 $0xFFFFC780  }
0x7f: {  	[bflag:$0x0] =	sbarrier.arrive $0xFFFF  }
0x80: {  	s4 =	rddreg [dreg:$0x16]  }
0x81: {  	s29 =	simm.s32 $0x0;
	s28 =	rddreg [dreg:$0x14]  }
.LBB2_10:
0x82: {  	s29 =	sadd.s32 $0x1, s29  }
0x83: {  	p5 =	sne.s32 s29, $0xA  }
.Ltmp3:
0x84: {  	_ = 	snop;
	(pc) =	sbr.rel @!p5 .LBB2_11-.Ltmp3, $2  }
0x85: {  	_ =	sdelay $0x2  }
0x86: {  	s28 =	sadd.s32 $0xFFFFFFF8, s28;
	s4 =	sadd.s32 $0x4000, s4  }
.LBB2_2:
0x87: {  	s9 =	sshll.u32 s29, $0x3  }
0x88: {  	s0 =	ssub.s32 s7, s9  }
0x89: {  	p5 =	slt.s32 s0, $0x1  }
.Ltmp4:
0x8a: {  	_ = 	snop;
	(pc) =	sbr.rel @p5 .LBB2_10-.Ltmp4, $1  }
0x8b: {  	_ =	sdelay $0x3  }
0x8c: {  	s8 =	sadd.s32 s5, s9  }
0x8d: {  	s9 =	sshll.u32 s8, $0x4  }
0x8e: {  	s26 =	simm.s32 $0x0;
	s25 =	simm.s32 $0x13880;
	s9 =	sadd.s32 s24, s9  }
0x8f: {  	[tilespmem:s25], [sflag:$0x4] =	stream.linear.gather [hbm4b:s9+s26], $0x400, $0x38;
	[tilespmem:$0x1FC80] =	vst v63  }
0x90: {  	_ =	swait.ge [sflag:s16], $0x400  }
0x91: {  	s8 =	sshll.u32 s8, $0xB;
	[sflag:s16] =	ssyncset.done $0x0  }
0x92: {  	s9 =	sadd.s32 s1, s8;
	[sflag:s16] =	ssyncadd.s32 $0xFFFFFC00  }
0x93: {  	[tilespmem:s6], [sflag:$0x1] =	stream.linear.gather [hbm4b:s9+s26], $0x4000, $0x38;
	[tilespmem:$0x1FC80] =	vst v63  }
0x94: {  	s9 =	sadd.s32 s8, s11  }
0x95: {  	[tilespmem:s17], [sflag:$0x2] =	stream.linear.gather [hbm4b:s9+s26], $0x4000, $0x38;
	[tilespmem:$0x1FC80] =	vst v63  }
.Ltmp5:
0x96: {  	_ = 	snop;
	(pc) =	sbr.rel .LBB2_4-.Ltmp5, $4  }
0x97: {  	p5 =	sgt.s32 s28, $0x1;
	p6 =	sgt.s32 s0, $0x0;
	s9 =	smov.u32 s28  }
0x98: {  	s0 =	simm.s32 @!p6 $0x0;
	s8 =	sadd.s32 s8, s3;
	s9 =	simm.s32 @!p5 $0x1  }
0x99: {  	[tilespmem:s18], [sflag:$0x3] =	stream.linear.gather [hbm4b:s8+s26], $0x4000, $0x38;
	[tilespmem:$0x1FC80] =	vst v63  }
0x9a: {  	s30 =	smov.u32 s4;
	s0 =	smin.u32 s0, $0x8;
	s31 =	smin.u32 s9, $0x8  }
.LBB2_8:
0x9b: {  	_ =	swait.ge [sflag:s19], $0x4000  }
0x9c: {  	[sflag:s19] =	ssyncset.done $0x0  }
0x9d: {  	[sflag:s19] =	ssyncadd.s32 $0xFFFFC000  }
0x9e: {  	[spmem:s2] =	stream.indirect.scatter.add.f32 [tilespmem:s18], [sflag:$0x4], $0x80, s25, s20, $0xb8;
	[tilespmem:$0x1FC80] =	vst v63  }
0x9f: {  	_ =	swait.ge [sflag:s16], $0x4000  }
0xa0: {  	p5 =	sge.u32 s9, s0;
	[sflag:s16] =	ssyncset.done $0x0  }
0xa1: {  	s8 =	simm.s32 @!p5 $0x0;
	s9 =	simm.s32 @!p5 $0x1BC80;
	[sflag:s16] =	ssyncadd.s32 $0xFFFFC000  }
0xa2: {  	[tilespmem:s9], [sflag:$0x3] =	stream.linear.gather @!p5 [hbm4b:s30+s8], $0x4000, $0x38;
	[tilespmem:$0x1FC80] =	vst v63  }
.LBB2_9:
0xa3: {  	s26 =	sadd.s32 $0x1, s26  }
0xa4: {  	p5 =	sne.s32 s31, s26  }
.Ltmp6:
0xa5: {  	_ = 	snop;
	(pc) =	sbr.rel @!p5 .LBB2_10-.Ltmp6, $2  }
0xa6: {  	_ =	sdelay $0x2  }
0xa7: {  	s30 =	sadd.s32 $0x800, s30;
	s25 =	sadd.s32 $0x80, s25  }
.LBB2_4:
0xa8: {  	s8 =	smulhi.u32 $0xAAAAAAAB, s26;
	_ =	sdelay $0x1  }
0xa9: {  	s8 =	sshrl.u32 s8, $0x1  }
0xaa: {  	s8 =	smul.u32 $0xFFFFFFFD, s8;
	_ =	sdelay $0x1  }
0xab: {  	s8 =	sadd.s32 s8, s26  }
0xac: {  	p5 =	seq.s32 s8, $0x2  }
.Ltmp7:
0xad: {  	_ = 	snop;
	(pc) =	sbr.rel @p5 .LBB2_8-.Ltmp7, $2  }
0xae: {  	_ =	sdelay $0x2  }
0xaf: {  	s9 =	sadd.s32 $0x3, s26  }
0xb0: {  	p5 =	seq.s32 s8, $0x1  }
.Ltmp8:
0xb1: {  	_ = 	snop;
	(pc) =	sbr.rel @!p5 .LBB2_6-.Ltmp8, $1  }
0xb2: {  	_ =	sdelay $0x3  }
0xb3: {  	_ =	swait.ge [sflag:s21], $0x4000  }
0xb4: {  	[sflag:s21] =	ssyncset.done $0x0  }
0xb5: {  	[sflag:s21] =	ssyncadd.s32 $0xFFFFC000  }
0xb6: {  	[spmem:s2] =	stream.indirect.scatter.add.f32 [tilespmem:s17], [sflag:$0x4], $0x80, s25, s20, $0xb8;
	[tilespmem:$0x1FC80] =	vst v63  }
.Ltmp9:
0xb7: {  	_ = 	snop;
	(pc) =	sbr.rel .LBB2_9-.Ltmp9, $4  }
0xb8: {  	_ =	swait.ge [sflag:s16], $0x4000  }
0xb9: {  	p5 =	sge.u32 s9, s0;
	[sflag:s16] =	ssyncset.done $0x0  }
0xba: {  	s8 =	simm.s32 @!p5 $0x0;
	s9 =	simm.s32 @!p5 $0x17C80;
	[sflag:s16] =	ssyncadd.s32 $0xFFFFC000  }
0xbb: {  	[tilespmem:s9], [sflag:$0x2] =	stream.linear.gather @!p5 [hbm4b:s30+s8], $0x4000, $0x38;
	[tilespmem:$0x1FC80] =	vst v63  }
.LBB2_6:
0xbc: {  	_ =	swait.ge [sflag:s22], $0x4000  }
0xbd: {  	[sflag:s22] =	ssyncset.done $0x0  }
0xbe: {  	[sflag:s22] =	ssyncadd.s32 $0xFFFFC000  }
0xbf: {  	[spmem:s2] =	stream.indirect.scatter.add.f32 [tilespmem:s6], [sflag:$0x4], $0x80, s25, s20, $0xb8;
	[tilespmem:$0x1FC80] =	vst v63  }
.Ltmp10:
0xc0: {  	_ = 	snop;
	(pc) =	sbr.rel .LBB2_9-.Ltmp10, $4  }
0xc1: {  	_ =	swait.ge [sflag:s16], $0x4000  }
0xc2: {  	p5 =	sge.u32 s9, s0;
	[sflag:s16] =	ssyncset.done $0x0  }
0xc3: {  	s8 =	simm.s32 @!p5 $0x0;
	s9 =	simm.s32 @!p5 $0x13C80;
	[sflag:s16] =	ssyncadd.s32 $0xFFFFC000  }
0xc4: {  	[tilespmem:s9], [sflag:$0x1] =	stream.linear.gather @!p5 [hbm4b:s30+s8], $0x4000, $0x38;
	[tilespmem:$0x1FC80] =	vst v63  }
.LBB2_12:
0xc5: {  	_ =	sfence.sel $0x180000  }
0xc6: {  	[bflag:$0x0] =	sbarrier.arrive $0xFFFF  }
0xc7: {  	_ =	strace $0x90000047  }
0xc8: {  	[bflag:$0x2] =	sbarrier.arrive $0xFFFF  }
0xc9: {  	p0 =	sne.s32 s9, $0x0;
	s0 =	rddreg [dreg:$0x4]  }
0xca: {  	s0 =	sadd.s32 @!p0 $0x100000, s0  }
0xcb: {  	[sflag:s0] =	ssyncadd.tile.s32 @!p0 $0x1;
	_ =	shalt  }
.Lfunc_end2:
_tile_overlayer_lowered:
.L_overlay_start_2:
0xcc: {  	(tag) =	ssettag $0x2  }
0xcd: {  	s0 =	rddreg [dreg:$0x0];
	s2 =	stileid.u32  }
0xce: {  	s1 =	rddreg [dreg:$0x1];
	p0 =	sne.s32 s2, $0x0  }
0xcf: {  	s3 =	rddreg [dreg:$0x2];
	[bflag:$0x3] =	sbarrier.arrive $0xFFFF;
	s2 =	simm.s32 @!p0 $0x1C04  }
0xd0: {  	[timem:s3], [sflag:s2] =	dma.local @!p0 [hbm:s0], s1  }
0xd1: {  	s0 =	simm.s32 @!p0 $0x4  }
0xd2: {  	_ =	swait.ge @!p0 [sflag:s0], s1  }
0xd3: {  	s1 =	ssub.s32 @!p0 $0x0, s1;
	[sflag:s0] =	ssyncset.done @!p0 $0x0  }
0xd4: {  	[sflag:s0] =	ssyncadd.s32 @!p0 s1  }
0xd5: {  	[bflag:$0x3] =	sbarrier.arrive $0xFFFF  }
0xd6: {  	_ =	shalt  }

</sc_bundles>
